<compile_context>
chip_gen: v7x
topology: tpu7x:2x2x1
jax: 0.10.2.dev20260603
libtpu: 0.0.44.dev20260713+nightly
codegen_flags: <defaults>
</compile_context>

<pallas_src>
import functools

import jax
import jax.numpy as jnp
from jax import lax
from jax.experimental import pallas as pl
from jax.experimental.pallas import tpu as pltpu
from jax.experimental.pallas import tpu_sc as plsc

B, S, V, D, H, FF, SLOTS = 4, 512, 32000, 512, 4, 256, 256
DH = D // H
NT = B * S



def _sc_gather_embed(embed, idx):
    info = plsc.get_sparse_core_info()
    nw = info.num_cores * info.num_subcores
    per_w = NT // nw

    mesh = plsc.VectorSubcoreMesh(core_axis_name="c", subcore_axis_name="s")

    @functools.partial(
        pl.kernel,
        out_type=jax.ShapeDtypeStruct((NT, D), jnp.float32),
        mesh=mesh,
        scratch_types=[
            pltpu.VMEM((per_w,), jnp.int32),
            pltpu.VMEM((per_w, D), jnp.float32),
            pltpu.SemaphoreType.DMA,
        ],
    )
    def gather_kernel(idx_hbm, table_hbm, out_hbm, idx_v, rows_v, sem):
        wid = lax.axis_index("s") * info.num_cores + lax.axis_index("c")
        base = wid * per_w
        pltpu.sync_copy(idx_hbm.at[pl.ds(base, per_w)], idx_v)
        pltpu.async_copy(table_hbm.at[idx_v], rows_v, sem).wait()
        pltpu.sync_copy(rows_v, out_hbm.at[pl.ds(base, per_w)])

    return gather_kernel(idx, embed)


def _sc_gather_targets(out_w, tgt, out_b128, tgt_div):
    info = plsc.get_sparse_core_info()
    nw = info.num_cores * info.num_subcores
    per_w = NT // nw

    mesh = plsc.VectorSubcoreMesh(core_axis_name="c", subcore_axis_name="s")

    @functools.partial(
        pl.kernel,
        out_type=(
            jax.ShapeDtypeStruct((NT, D), jnp.float32),
            jax.ShapeDtypeStruct((NT, 128), jnp.float32),
        ),
        mesh=mesh,
        scratch_types=[
            pltpu.VMEM((per_w,), jnp.int32),
            pltpu.VMEM((per_w,), jnp.int32),
            pltpu.VMEM((per_w, D), jnp.float32),
            pltpu.VMEM((per_w, 128), jnp.float32),
            pltpu.SemaphoreType.DMA,
            pltpu.SemaphoreType.DMA,
        ],
    )
    def gather_kernel(tgt_hbm, wtab_hbm, tdiv_hbm, btab_hbm, wt_hbm, bt_hbm,
                      tgt_v, tdiv_v, wrows_v, brows_v, sem0, sem1):
        wid = lax.axis_index("s") * info.num_cores + lax.axis_index("c")
        base = wid * per_w
        pltpu.sync_copy(tgt_hbm.at[pl.ds(base, per_w)], tgt_v)
        pltpu.sync_copy(tdiv_hbm.at[pl.ds(base, per_w)], tdiv_v)
        c0 = pltpu.async_copy(wtab_hbm.at[tgt_v], wrows_v, sem0)
        c1 = pltpu.async_copy(btab_hbm.at[tdiv_v], brows_v, sem1)
        c0.wait()
        pltpu.sync_copy(wrows_v, wt_hbm.at[pl.ds(base, per_w)])
        c1.wait()
        pltpu.sync_copy(brows_v, bt_hbm.at[pl.ds(base, per_w)])

    return gather_kernel(tgt, out_w, tgt_div, out_b128)




def _dot_t(a, b):
    return lax.dot_general(a.astype(jnp.bfloat16), b.astype(jnp.bfloat16),
                           (((1,), (1,)), ((), ())),
                           preferred_element_type=jnp.float32)


def _layer_body(h_ref, mem_keys_ref, mem_vals_ref, in_w_ref, in_b_ref,
                out_w_ref, out_b_ref, l1_w_ref, l1_b_ref, l2_w_ref, l2_b_ref,
                ln1_w_ref, ln1_b_ref, ln2_w_ref, ln2_b_ref, o_ref):
  for bb in range(B):
    h = h_ref[pl.ds(bb * S, S), :]

    query = jnp.mean(h, axis=0, keepdims=True)
    mk = mem_keys_ref[...]
    kn = mk * lax.rsqrt(
        jnp.maximum(jnp.sum(mk * mk, axis=1, keepdims=True), 1e-16))
    scores = jnp.sum(kn * query, axis=1, keepdims=True)
    smax = jnp.max(scores, axis=0, keepdims=True)
    slot_ids = lax.broadcasted_iota(jnp.int32, (SLOTS, 1), 0)
    cand = jnp.where(scores >= smax, slot_ids, SLOTS + 1)
    first = jnp.min(cand, axis=0, keepdims=True)
    onehot = (slot_ids == first).astype(jnp.float32)
    mem_value = jnp.sum(onehot * mem_vals_ref[...], axis=0, keepdims=True)
    h = h + mem_value

    qkv = _dot_t(h, in_w_ref[...]) + in_b_ref[...]
    q = qkv[:, 0:D]
    k = qkv[:, D:2 * D]
    v = qkv[:, 2 * D:3 * D]
    scale = 1.0 / (DH ** 0.5)
    ao_heads = []
    for hh in range(H):
        qh = q[:, hh * DH:(hh + 1) * DH]
        kh = k[:, hh * DH:(hh + 1) * DH]
        vh = v[:, hh * DH:(hh + 1) * DH]
        s = _dot_t(qh, kh) * scale
        s = s - jnp.max(s, axis=1, keepdims=True)
        e = jnp.exp(s)
        p = e / jnp.sum(e, axis=1, keepdims=True)
        ao_heads.append(
            lax.dot_general(p.astype(jnp.bfloat16), vh.astype(jnp.bfloat16),
                            (((1,), (0,)), ((), ())),
                            preferred_element_type=jnp.float32))
    ao = jnp.concatenate(ao_heads, axis=1)
    ao = _dot_t(ao, out_w_ref[...]) + out_b_ref[...]

    def layernorm(t, w, b):
        mu = jnp.mean(t, axis=1, keepdims=True)
        var = jnp.mean((t - mu) ** 2, axis=1, keepdims=True)
        return (t - mu) * lax.rsqrt(var + 1e-5) * w + b

    h1 = layernorm(h + ao, ln1_w_ref[...], ln1_b_ref[...])
    ff = jnp.maximum(_dot_t(h1, l1_w_ref[...]) + l1_b_ref[...], 0.0)
    ff = _dot_t(ff, l2_w_ref[...]) + l2_b_ref[...]
    o_ref[pl.ds(bb * S, S), :] = layernorm(
        h1 + ff, ln2_w_ref[...], ln2_b_ref[...]).astype(jnp.bfloat16)


def _transformer(h_flat, mem_keys, mem_vals, in_w, in_b, out_w, out_b,
                 l1_w, l1_b, l2_w, l2_b, ln1_w, ln1_b, ln2_w, ln2_b):
    row = lambda a: a.reshape(1, -1)
    full = lambda a: pl.BlockSpec(a.shape, lambda i: (0,) * a.ndim)
    args = (mem_keys, mem_vals, in_w, row(in_b), out_w, row(out_b),
            l1_w, row(l1_b), l2_w, row(l2_b), row(ln1_w), row(ln1_b),
            row(ln2_w), row(ln2_b))
    return pl.pallas_call(
        _layer_body,
        grid=(1,),
        in_specs=[pl.BlockSpec((NT, D), lambda i: (0, 0))] +
                 [full(a) for a in args],
        out_specs=pl.BlockSpec((NT, D), lambda i: (0, 0)),
        out_shape=jax.ShapeDtypeStruct((NT, D), jnp.bfloat16),
    )(h_flat, *args)



TV = 1280
NV = V // TV


def _vocab_body(h_ref, w_ref, b_ref, wt_ref, bt_ref, tgt_ref,
                logits_ref, loss_ref, s_ref, t_ref):
    j = pl.program_id(0)
    logits = lax.dot_general(
        h_ref[...], w_ref[...].astype(jnp.bfloat16),
        (((1,), (1,)), ((), ())),
        preferred_element_type=jnp.float32) + b_ref[...]
    logits_ref[...] = logits

    s_part = jnp.sum(jnp.exp(logits), axis=1, keepdims=True)

    @pl.when(j == 0)
    def _init():
        s_ref[...] = s_part
        tdot = jnp.sum(h_ref[...].astype(jnp.float32) * wt_ref[...],
                       axis=1, keepdims=True)
        lane = lax.broadcasted_iota(jnp.int32, (NT, 128), 1)
        tmod = tgt_ref[...] - 128 * (tgt_ref[...] // 128)
        bsel = jnp.sum(jnp.where(lane == tmod, bt_ref[...], 0.0), axis=1,
                       keepdims=True)
        t_ref[...] = tdot + bsel

    @pl.when(j > 0)
    def _update():
        s_ref[...] = s_ref[...] + s_part

    @pl.when(j == NV - 1)
    def _fin():
        lse = jnp.log(s_ref[...])
        loss_val = (jnp.sum(lse) - jnp.sum(t_ref[...])) / float(NT)
        loss_ref[...] = jnp.full((1, 1), loss_val, dtype=jnp.float32)


def _vocab_loss(h2, out_w, out_b, wt, brows, tgt):
    return pl.pallas_call(
        _vocab_body,
        grid=(NV,),
        in_specs=[
            pl.BlockSpec((NT, D), lambda j: (0, 0)),
            pl.BlockSpec((TV, D), lambda j: (j, 0)),
            pl.BlockSpec((1, TV), lambda j: (0, j)),
            pl.BlockSpec((NT, D), lambda j: (0, 0)),
            pl.BlockSpec((NT, 128), lambda j: (0, 0)),
            pl.BlockSpec((NT, 1), lambda j: (0, 0)),
        ],
        out_specs=[
            pl.BlockSpec((NT, TV), lambda j: (0, j)),
            pl.BlockSpec((1, 1), lambda j: (0, 0)),
        ],
        out_shape=[
            jax.ShapeDtypeStruct((NT, V), jnp.float32),
            jax.ShapeDtypeStruct((1, 1), jnp.float32),
        ],
        scratch_shapes=[
            pltpu.VMEM((NT, 1), jnp.float32),
            pltpu.VMEM((NT, 1), jnp.float32),
        ],
    )(h2, out_w, out_b.reshape(1, V), wt, brows, tgt)




def kernel(x, targets, embed, mem_keys, mem_vals, in_proj_w, in_proj_b,
           out_proj_w, out_proj_b, lin1_w, lin1_b, lin2_w, lin2_b,
           ln1_w, ln1_b, ln2_w, ln2_b, out_w, out_b):
    idx = x.reshape(NT).astype(jnp.int32)
    tgt = targets.reshape(NT).astype(jnp.int32)
    h_flat = _sc_gather_embed(embed, idx)
    wt, brows = _sc_gather_targets(out_w, tgt, out_b.reshape(V // 128, 128),
                                   tgt // 128)
    h2 = _transformer(h_flat, mem_keys, mem_vals, in_proj_w, in_proj_b,
                      out_proj_w, out_proj_b, lin1_w, lin1_b, lin2_w, lin2_b,
                      ln1_w, ln1_b, ln2_w, ln2_b)
    logits_flat, loss = _vocab_loss(h2, out_w, out_b, wt, brows,
                                    tgt.reshape(NT, 1))
    return logits_flat.reshape(B, S, V), loss.reshape(())

# --- scband reference (transcript-rebuilt; emitter-appended) ---
"""Pipeline reference for scband-fast-recursive-model-89489938580102 (READ-ONLY COPY).

The authoritative reference and input builder live on the scoring server;
editing this copy changes nothing except your own understanding.
"""

import jax, jax.numpy as jnp
import numpy as np

B, S, V, D, H, FF, SLOTS = 4, 512, 32000, 512, 4, 256, 256
DH = D // H


def _layernorm(x, w, b, eps=1e-5):
    mu = jnp.mean(x, axis=-1, keepdims=True)
    var = jnp.mean((x - mu) ** 2, axis=-1, keepdims=True)
    return (x - mu) / jnp.sqrt(var + eps) * w + b


def setup_inputs(seed: int = 0) -> dict:
    key = jax.random.key(seed)
    ks = jax.random.split(key, 16)
    inp = {}
    inp['x'] = jax.random.randint(ks[0], (B, S), 0, V, dtype=jnp.int64) if jax.config.jax_enable_x64 else jax.random.randint(ks[0], (B, S), 0, V, dtype=jnp.int32)
    inp['targets'] = jax.random.randint(ks[1], (B, S), 0, V, dtype=jnp.int32)
    inp['embed'] = jax.random.normal(ks[2], (V, D), dtype=jnp.float32) * 0.02
    inp['mem_keys'] = jax.random.normal(ks[3], (SLOTS, D), dtype=jnp.float32) * 0.1
    inp['mem_vals'] = jax.random.normal(ks[4], (SLOTS, D), dtype=jnp.float32) * 0.1
    inp['in_proj_w'] = jax.random.normal(ks[5], (3 * D, D), dtype=jnp.float32) * 0.02
    inp['in_proj_b'] = jnp.zeros((3 * D,), dtype=jnp.float32)
    inp['out_proj_w'] = jax.random.normal(ks[6], (D, D), dtype=jnp.float32) * 0.02
    inp['out_proj_b'] = jnp.zeros((D,), dtype=jnp.float32)
    inp['lin1_w'] = jax.random.normal(ks[7], (FF, D), dtype=jnp.float32) * 0.02
    inp['lin1_b'] = jnp.zeros((FF,), dtype=jnp.float32)
    inp['lin2_w'] = jax.random.normal(ks[8], (D, FF), dtype=jnp.float32) * 0.02
    inp['lin2_b'] = jnp.zeros((D,), dtype=jnp.float32)
    inp['ln1_w'] = jnp.ones((D,), dtype=jnp.float32)
    inp['ln1_b'] = jnp.zeros((D,), dtype=jnp.float32)
    inp['ln2_w'] = jnp.ones((D,), dtype=jnp.float32)
    inp['ln2_b'] = jnp.zeros((D,), dtype=jnp.float32)
    inp['out_w'] = jax.random.normal(ks[9], (V, D), dtype=jnp.float32) * 0.02
    inp['out_b'] = jnp.zeros((V,), dtype=jnp.float32)
    return inp


def reference(x, targets, embed, mem_keys, mem_vals, in_proj_w, in_proj_b, out_proj_w, out_proj_b, lin1_w, lin1_b, lin2_w, lin2_b, ln1_w, ln1_b, ln2_w, ln2_b, out_w, out_b):
    # embedding gather
    h = jnp.take(embed, x, axis=0)  # [B, S, D]
    query = h.mean(axis=1)  # [B, D]
    # memory read: cosine similarity -> argmax -> gather from vals
    qn = query / jnp.maximum(jnp.linalg.norm(query, axis=-1, keepdims=True), 1e-8)
    kn = mem_keys / jnp.maximum(jnp.linalg.norm(mem_keys, axis=-1, keepdims=True), 1e-8)
    scores = qn @ kn.T  # [B, SLOTS]
    idx = jnp.argmax(scores, axis=1)
    mem_value = jnp.take(mem_vals, idx, axis=0)  # [B, D]
    h = h + mem_value[:, None, :]
    # TransformerEncoderLayer (post-LN, relu, no dropout / eval mode)
    qkv = h @ in_proj_w.T + in_proj_b  # [B, S, 3D]
    q, k, v = jnp.split(qkv, 3, axis=-1)
    q = q.reshape(B, S, H, DH).transpose(0, 2, 1, 3)
    k = k.reshape(B, S, H, DH).transpose(0, 2, 1, 3)
    v = v.reshape(B, S, H, DH).transpose(0, 2, 1, 3)
    attn = jax.nn.softmax(jnp.einsum('bhqd,bhkd->bhqk', q, k) / jnp.sqrt(float(DH)), axis=-1)
    ao = jnp.einsum('bhqk,bhkd->bhqd', attn, v).transpose(0, 2, 1, 3).reshape(B, S, D)
    ao = ao @ out_proj_w.T + out_proj_b
    h1 = _layernorm(h + ao, ln1_w, ln1_b)
    ff = jax.nn.relu(h1 @ lin1_w.T + lin1_b) @ lin2_w.T + lin2_b
    h2 = _layernorm(h1 + ff, ln2_w, ln2_b)
    logits = h2 @ out_w.T + out_b  # [B, S, V]
    logp = jax.nn.log_softmax(logits, axis=-1)
    nll = -jnp.take_along_axis(logp, targets[..., None].astype(jnp.int32), axis=-1)[..., 0]
    loss = nll.mean()
    # Note: the torch module also performs an in-place no-grad memory update
    # (scatter-overwrite of keys/vals at argmax slots); it is a stateful side
    # effect that does not affect this call's outputs, so it is omitted here.
    return (logits, loss)

if __name__ == "__main__":
    import jax
    _d = setup_inputs()
    print(jax.jit(kernel)(*tuple(_d.values())))

</pallas_src>

<mosaic_0001>
#map = affine_map<(d0, d1) -> (0)>
#map1 = affine_map<(d0, d1) -> (0, 0)>
module attributes {stable_mosaic.version = 14 : i64} {
  func.func @gather_kernel(%arg0: i32, %arg1: i32, %arg2: memref<2048xi32, #tpu.memory_space<hbm>>, %arg3: memref<32000x512xf32, #tpu.memory_space<hbm>>, %arg4: memref<2048xi32, #tpu.memory_space<hbm>>, %arg5: memref<250x128xf32, #tpu.memory_space<hbm>>, %arg6: memref<2048x512xf32, #tpu.memory_space<hbm>>, %arg7: memref<2048x128xf32, #tpu.memory_space<hbm>>, %arg8: memref<64xi32, #tpu.memory_space<vmem>>, %arg9: memref<64xi32, #tpu.memory_space<vmem>>, %arg10: memref<64x512xf32, #tpu.memory_space<vmem>>, %arg11: memref<64x128xf32, #tpu.memory_space<vmem>>, %arg12: memref<!tpu.dma_semaphore, #tpu.memory_space<semaphore_mem>>, %arg13: memref<!tpu.dma_semaphore, #tpu.memory_space<semaphore_mem>>) attributes {dimension_semantics = [#tpu.dimension_semantics<core_parallel>, #tpu.dimension_semantics<subcore_parallel>], iteration_bounds = array<i64: 2, 16>, scalar_prefetch = 0 : i64, scratch_operands = 6 : i64, tpu.core_type = #tpu.core_type<sc_vector_subcore>, window_params = [{transform_indices = #map}, {transform_indices = #map1}, {transform_indices = #map}, {transform_indices = #map1}, {transform_indices = #map1}, {transform_indices = #map1}]} {
    %mul3A = arith.constant 2 : i32
    %mul3A_0 = arith.muli %arg1, %mul3A : i32
    %add3A = arith.addi %mul3A_0, %arg0 : i32
    %mul3A_1 = arith.constant 64 : i32
    %mul3A_2 = arith.muli %add3A, %mul3A_1 : i32
    "tpu.region"() ({
      %run_scoped3A = tpu.sem_alloc : memref<!tpu.dma_semaphore, #tpu.memory_space<semaphore_mem>>
      %dma_start3A_13 = tpu.memref_slice %arg2[%mul3A_2] : memref<2048xi32, #tpu.memory_space<hbm>> -> memref<64xi32, #tpu.memory_space<hbm>>
      %dma_start3A_14 = tpu.memref_slice %arg2[%mul3A_2] : memref<2048xi32, #tpu.memory_space<hbm>> -> memref<64xi32, #tpu.memory_space<hbm>>
      tpu.enqueue_dma source(%dma_start3A_14 : memref<64xi32, #tpu.memory_space<hbm>>) target(%arg8 : memref<64xi32, #tpu.memory_space<vmem>>) target_semaphore(%run_scoped3A : memref<!tpu.dma_semaphore, #tpu.memory_space<semaphore_mem>>)
      %dma_wait3A_15 = tpu.memref_slice %arg2[%mul3A_2] : memref<2048xi32, #tpu.memory_space<hbm>> -> memref<64xi32, #tpu.memory_space<hbm>>
      %dma_wait3A_16 = tpu.memref_slice %arg2[%mul3A_2] : memref<2048xi32, #tpu.memory_space<hbm>> -> memref<64xi32, #tpu.memory_space<hbm>>
      tpu.wait_dma2 semaphore(%run_scoped3A : memref<!tpu.dma_semaphore, #tpu.memory_space<semaphore_mem>>) src(%dma_wait3A_16 : memref<64xi32, #tpu.memory_space<hbm>>) dst(%arg8 : memref<64xi32, #tpu.memory_space<vmem>>)
      tpu.yield
    }) : () -> ()
    "tpu.region"() ({
      %run_scoped3A = tpu.sem_alloc : memref<!tpu.dma_semaphore, #tpu.memory_space<semaphore_mem>>
      %dma_start3A_13 = tpu.memref_slice %arg4[%mul3A_2] : memref<2048xi32, #tpu.memory_space<hbm>> -> memref<64xi32, #tpu.memory_space<hbm>>
      %dma_start3A_14 = tpu.memref_slice %arg4[%mul3A_2] : memref<2048xi32, #tpu.memory_space<hbm>> -> memref<64xi32, #tpu.memory_space<hbm>>
      tpu.enqueue_dma source(%dma_start3A_14 : memref<64xi32, #tpu.memory_space<hbm>>) target(%arg9 : memref<64xi32, #tpu.memory_space<vmem>>) target_semaphore(%run_scoped3A : memref<!tpu.dma_semaphore, #tpu.memory_space<semaphore_mem>>)
      %dma_wait3A_15 = tpu.memref_slice %arg4[%mul3A_2] : memref<2048xi32, #tpu.memory_space<hbm>> -> memref<64xi32, #tpu.memory_space<hbm>>
      %dma_wait3A_16 = tpu.memref_slice %arg4[%mul3A_2] : memref<2048xi32, #tpu.memory_space<hbm>> -> memref<64xi32, #tpu.memory_space<hbm>>
      tpu.wait_dma2 semaphore(%run_scoped3A : memref<!tpu.dma_semaphore, #tpu.memory_space<semaphore_mem>>) src(%dma_wait3A_16 : memref<64xi32, #tpu.memory_space<hbm>>) dst(%arg9 : memref<64xi32, #tpu.memory_space<vmem>>)
      tpu.yield
    }) : () -> ()
    %dma_start3A = arith.constant 0 : i32
    %dma_start3A_3 = arith.constant 0 : i32
    %dma_start3A_4 = tpu.memref_slice %arg3[%dma_start3A, %dma_start3A_3] : memref<32000x512xf32, #tpu.memory_space<hbm>> -> memref<32000x512xf32, #tpu.memory_space<hbm>>
    tpu.enqueue_indirect_dma source(%dma_start3A_4 : memref<32000x512xf32, #tpu.memory_space<hbm>>) target(%arg10 : memref<64x512xf32, #tpu.memory_space<vmem>>) offsets(%arg8 : memref<64xi32, #tpu.memory_space<vmem>>) semaphore(%arg12 : memref<!tpu.dma_semaphore, #tpu.memory_space<semaphore_mem>>)
    %dma_start3A_5 = arith.constant 0 : i32
    %dma_start3A_6 = arith.constant 0 : i32
    %dma_start3A_7 = tpu.memref_slice %arg5[%dma_start3A_5, %dma_start3A_6] : memref<250x128xf32, #tpu.memory_space<hbm>> -> memref<250x128xf32, #tpu.memory_space<hbm>>
    tpu.enqueue_indirect_dma source(%dma_start3A_7 : memref<250x128xf32, #tpu.memory_space<hbm>>) target(%arg11 : memref<64x128xf32, #tpu.memory_space<vmem>>) offsets(%arg9 : memref<64xi32, #tpu.memory_space<vmem>>) semaphore(%arg13 : memref<!tpu.dma_semaphore, #tpu.memory_space<semaphore_mem>>)
    %dma_wait3A = arith.constant 0 : i32
    %dma_wait3A_8 = arith.constant 0 : i32
    %dma_wait3A_9 = tpu.memref_slice %arg3[%dma_wait3A, %dma_wait3A_8] : memref<32000x512xf32, #tpu.memory_space<hbm>> -> memref<32000x512xf32, #tpu.memory_space<hbm>>
    tpu.wait_indirect_dma semaphore(%arg12 : memref<!tpu.dma_semaphore, #tpu.memory_space<semaphore_mem>>) src(%dma_wait3A_9 : memref<32000x512xf32, #tpu.memory_space<hbm>>) dst(%arg10 : memref<64x512xf32, #tpu.memory_space<vmem>>)
    "tpu.region"() ({
      %run_scoped3A = tpu.sem_alloc : memref<!tpu.dma_semaphore, #tpu.memory_space<semaphore_mem>>
      %dma_start3A_13 = arith.constant 0 : i32
      %dma_start3A_14 = tpu.memref_slice %arg6[%mul3A_2, %dma_start3A_13] : memref<2048x512xf32, #tpu.memory_space<hbm>> -> memref<64x512xf32, #tpu.memory_space<hbm>>
      %dma_start3A_15 = arith.constant 0 : i32
      %dma_start3A_16 = tpu.memref_slice %arg6[%mul3A_2, %dma_start3A_15] : memref<2048x512xf32, #tpu.memory_space<hbm>> -> memref<64x512xf32, #tpu.memory_space<hbm>>
      tpu.enqueue_dma source(%arg10 : memref<64x512xf32, #tpu.memory_space<vmem>>) target(%dma_start3A_16 : memref<64x512xf32, #tpu.memory_space<hbm>>) target_semaphore(%run_scoped3A : memref<!tpu.dma_semaphore, #tpu.memory_space<semaphore_mem>>)
      %dma_wait3A_17 = arith.constant 0 : i32
      %dma_wait3A_18 = tpu.memref_slice %arg6[%mul3A_2, %dma_wait3A_17] : memref<2048x512xf32, #tpu.memory_space<hbm>> -> memref<64x512xf32, #tpu.memory_space<hbm>>
      %dma_wait3A_19 = arith.constant 0 : i32
      %dma_wait3A_20 = tpu.memref_slice %arg6[%mul3A_2, %dma_wait3A_19] : memref<2048x512xf32, #tpu.memory_space<hbm>> -> memref<64x512xf32, #tpu.memory_space<hbm>>
      tpu.wait_dma2 semaphore(%run_scoped3A : memref<!tpu.dma_semaphore, #tpu.memory_space<semaphore_mem>>) src(%arg10 : memref<64x512xf32, #tpu.memory_space<vmem>>) dst(%dma_wait3A_20 : memref<64x512xf32, #tpu.memory_space<hbm>>)
      tpu.yield
    }) : () -> ()
    %dma_wait3A_10 = arith.constant 0 : i32
    %dma_wait3A_11 = arith.constant 0 : i32
    %dma_wait3A_12 = tpu.memref_slice %arg5[%dma_wait3A_10, %dma_wait3A_11] : memref<250x128xf32, #tpu.memory_space<hbm>> -> memref<250x128xf32, #tpu.memory_space<hbm>>
    tpu.wait_indirect_dma semaphore(%arg13 : memref<!tpu.dma_semaphore, #tpu.memory_space<semaphore_mem>>) src(%dma_wait3A_12 : memref<250x128xf32, #tpu.memory_space<hbm>>) dst(%arg11 : memref<64x128xf32, #tpu.memory_space<vmem>>)
    "tpu.region"() ({
      %run_scoped3A = tpu.sem_alloc : memref<!tpu.dma_semaphore, #tpu.memory_space<semaphore_mem>>
      %dma_start3A_13 = arith.constant 0 : i32
      %dma_start3A_14 = tpu.memref_slice %arg7[%mul3A_2, %dma_start3A_13] : memref<2048x128xf32, #tpu.memory_space<hbm>> -> memref<64x128xf32, #tpu.memory_space<hbm>>
      %dma_start3A_15 = arith.constant 0 : i32
      %dma_start3A_16 = tpu.memref_slice %arg7[%mul3A_2, %dma_start3A_15] : memref<2048x128xf32, #tpu.memory_space<hbm>> -> memref<64x128xf32, #tpu.memory_space<hbm>>
      tpu.enqueue_dma source(%arg11 : memref<64x128xf32, #tpu.memory_space<vmem>>) target(%dma_start3A_16 : memref<64x128xf32, #tpu.memory_space<hbm>>) target_semaphore(%run_scoped3A : memref<!tpu.dma_semaphore, #tpu.memory_space<semaphore_mem>>)
      %dma_wait3A_17 = arith.constant 0 : i32
      %dma_wait3A_18 = tpu.memref_slice %arg7[%mul3A_2, %dma_wait3A_17] : memref<2048x128xf32, #tpu.memory_space<hbm>> -> memref<64x128xf32, #tpu.memory_space<hbm>>
      %dma_wait3A_19 = arith.constant 0 : i32
      %dma_wait3A_20 = tpu.memref_slice %arg7[%mul3A_2, %dma_wait3A_19] : memref<2048x128xf32, #tpu.memory_space<hbm>> -> memref<64x128xf32, #tpu.memory_space<hbm>>
      tpu.wait_dma2 semaphore(%run_scoped3A : memref<!tpu.dma_semaphore, #tpu.memory_space<semaphore_mem>>) src(%arg11 : memref<64x128xf32, #tpu.memory_space<vmem>>) dst(%dma_wait3A_20 : memref<64x128xf32, #tpu.memory_space<hbm>>)
      tpu.yield
    }) : () -> ()
    return
  }
}

#map = affine_map<(d0, d1) -> (0)>
#map1 = affine_map<(d0, d1) -> (0, 0)>
module attributes {stable_mosaic.version = 14 : i64} {
  func.func @gather_kernel(%arg0: i32, %arg1: i32, %arg2: memref<2048xi32, #tpu.memory_space<hbm>>, %arg3: memref<32000x512xf32, #tpu.memory_space<hbm>>, %arg4: memref<2048x512xf32, #tpu.memory_space<hbm>>, %arg5: memref<64xi32, #tpu.memory_space<vmem>>, %arg6: memref<64x512xf32, #tpu.memory_space<vmem>>, %arg7: memref<!tpu.dma_semaphore, #tpu.memory_space<semaphore_mem>>) attributes {dimension_semantics = [#tpu.dimension_semantics<core_parallel>, #tpu.dimension_semantics<subcore_parallel>], iteration_bounds = array<i64: 2, 16>, scalar_prefetch = 0 : i64, scratch_operands = 3 : i64, tpu.core_type = #tpu.core_type<sc_vector_subcore>, window_params = [{transform_indices = #map}, {transform_indices = #map1}, {transform_indices = #map1}]} {
    %mul3A = arith.constant 2 : i32
    %mul3A_0 = arith.muli %arg1, %mul3A : i32
    %add3A = arith.addi %mul3A_0, %arg0 : i32
    %mul3A_1 = arith.constant 64 : i32
    %mul3A_2 = arith.muli %add3A, %mul3A_1 : i32
    "tpu.region"() ({
      %run_scoped3A = tpu.sem_alloc : memref<!tpu.dma_semaphore, #tpu.memory_space<semaphore_mem>>
      %dma_start3A_7 = tpu.memref_slice %arg2[%mul3A_2] : memref<2048xi32, #tpu.memory_space<hbm>> -> memref<64xi32, #tpu.memory_space<hbm>>
      %dma_start3A_8 = tpu.memref_slice %arg2[%mul3A_2] : memref<2048xi32, #tpu.memory_space<hbm>> -> memref<64xi32, #tpu.memory_space<hbm>>
      tpu.enqueue_dma source(%dma_start3A_8 : memref<64xi32, #tpu.memory_space<hbm>>) target(%arg5 : memref<64xi32, #tpu.memory_space<vmem>>) target_semaphore(%run_scoped3A : memref<!tpu.dma_semaphore, #tpu.memory_space<semaphore_mem>>)
      %dma_wait3A_9 = tpu.memref_slice %arg2[%mul3A_2] : memref<2048xi32, #tpu.memory_space<hbm>> -> memref<64xi32, #tpu.memory_space<hbm>>
      %dma_wait3A_10 = tpu.memref_slice %arg2[%mul3A_2] : memref<2048xi32, #tpu.memory_space<hbm>> -> memref<64xi32, #tpu.memory_space<hbm>>
      tpu.wait_dma2 semaphore(%run_scoped3A : memref<!tpu.dma_semaphore, #tpu.memory_space<semaphore_mem>>) src(%dma_wait3A_10 : memref<64xi32, #tpu.memory_space<hbm>>) dst(%arg5 : memref<64xi32, #tpu.memory_space<vmem>>)
      tpu.yield
    }) : () -> ()
    %dma_start3A = arith.constant 0 : i32
    %dma_start3A_3 = arith.constant 0 : i32
    %dma_start3A_4 = tpu.memref_slice %arg3[%dma_start3A, %dma_start3A_3] : memref<32000x512xf32, #tpu.memory_space<hbm>> -> memref<32000x512xf32, #tpu.memory_space<hbm>>
    tpu.enqueue_indirect_dma source(%dma_start3A_4 : memref<32000x512xf32, #tpu.memory_space<hbm>>) target(%arg6 : memref<64x512xf32, #tpu.memory_space<vmem>>) offsets(%arg5 : memref<64xi32, #tpu.memory_space<vmem>>) semaphore(%arg7 : memref<!tpu.dma_semaphore, #tpu.memory_space<semaphore_mem>>)
    %dma_wait3A = arith.constant 0 : i32
    %dma_wait3A_5 = arith.constant 0 : i32
    %dma_wait3A_6 = tpu.memref_slice %arg3[%dma_wait3A, %dma_wait3A_5] : memref<32000x512xf32, #tpu.memory_space<hbm>> -> memref<32000x512xf32, #tpu.memory_space<hbm>>
    tpu.wait_indirect_dma semaphore(%arg7 : memref<!tpu.dma_semaphore, #tpu.memory_space<semaphore_mem>>) src(%dma_wait3A_6 : memref<32000x512xf32, #tpu.memory_space<hbm>>) dst(%arg6 : memref<64x512xf32, #tpu.memory_space<vmem>>)
    "tpu.region"() ({
      %run_scoped3A = tpu.sem_alloc : memref<!tpu.dma_semaphore, #tpu.memory_space<semaphore_mem>>
      %dma_start3A_7 = arith.constant 0 : i32
      %dma_start3A_8 = tpu.memref_slice %arg4[%mul3A_2, %dma_start3A_7] : memref<2048x512xf32, #tpu.memory_space<hbm>> -> memref<64x512xf32, #tpu.memory_space<hbm>>
      %dma_start3A_9 = arith.constant 0 : i32
      %dma_start3A_10 = tpu.memref_slice %arg4[%mul3A_2, %dma_start3A_9] : memref<2048x512xf32, #tpu.memory_space<hbm>> -> memref<64x512xf32, #tpu.memory_space<hbm>>
      tpu.enqueue_dma source(%arg6 : memref<64x512xf32, #tpu.memory_space<vmem>>) target(%dma_start3A_10 : memref<64x512xf32, #tpu.memory_space<hbm>>) target_semaphore(%run_scoped3A : memref<!tpu.dma_semaphore, #tpu.memory_space<semaphore_mem>>)
      %dma_wait3A_11 = arith.constant 0 : i32
      %dma_wait3A_12 = tpu.memref_slice %arg4[%mul3A_2, %dma_wait3A_11] : memref<2048x512xf32, #tpu.memory_space<hbm>> -> memref<64x512xf32, #tpu.memory_space<hbm>>
      %dma_wait3A_13 = arith.constant 0 : i32
      %dma_wait3A_14 = tpu.memref_slice %arg4[%mul3A_2, %dma_wait3A_13] : memref<2048x512xf32, #tpu.memory_space<hbm>> -> memref<64x512xf32, #tpu.memory_space<hbm>>
      tpu.wait_dma2 semaphore(%run_scoped3A : memref<!tpu.dma_semaphore, #tpu.memory_space<semaphore_mem>>) src(%arg6 : memref<64x512xf32, #tpu.memory_space<vmem>>) dst(%dma_wait3A_14 : memref<64x512xf32, #tpu.memory_space<hbm>>)
      tpu.yield
    }) : () -> ()
    return
  }
}

module attributes {stable_mosaic.version = 14 : i64} {
  func.func @_vocab_body(%arg0: i32, %arg1: memref<2048x512xbf16, #tpu.memory_space<vmem>>, %arg2: memref<1280x512xf32, #tpu.memory_space<vmem>>, %arg3: memref<1x1280xf32, #tpu.memory_space<vmem>>, %arg4: memref<2048x512xf32, #tpu.memory_space<vmem>>, %arg5: memref<2048x128xf32, #tpu.memory_space<vmem>>, %arg6: memref<2048x1xi32, #tpu.memory_space<vmem>>, %arg7: memref<2048x1280xf32, #tpu.memory_space<vmem>>, %arg8: memref<1x1xf32, #tpu.memory_space<vmem>>, %arg9: memref<2048x1xf32, #tpu.memory_space<vmem>>, %arg10: memref<2048x1xf32, #tpu.memory_space<vmem>>) attributes {dimension_semantics = [#tpu.dimension_semantics<arbitrary>], iteration_bounds = array<i64: 25>, scalar_prefetch = 0 : i64, scratch_operands = 2 : i64, tpu.core_type = #tpu.core_type<tc>, window_params = [{pipeline_mode = #tpu.pipeline_mode<synchronous>, transform_indices = @transform_0, window_bounds = array<i64: 2048, 512>}, {transform_indices = @transform_1, window_bounds = array<i64: 1280, 512>}, {transform_indices = @transform_2, window_bounds = array<i64: 1, 1280>}, {pipeline_mode = #tpu.pipeline_mode<synchronous>, transform_indices = @transform_3, window_bounds = array<i64: 2048, 512>}, {pipeline_mode = #tpu.pipeline_mode<synchronous>, transform_indices = @transform_4, window_bounds = array<i64: 2048, 128>}, {pipeline_mode = #tpu.pipeline_mode<synchronous>, transform_indices = @transform_5, window_bounds = array<i64: 2048, 1>}, {transform_indices = @transform_6, window_bounds = array<i64: 2048, 1280>}, {pipeline_mode = #tpu.pipeline_mode<synchronous>, transform_indices = @transform_7, window_bounds = array<i64: 1, 1>}]} {
    %get3A = arith.constant 0 : index
    %get3A_0 = arith.constant 0 : index
    %get3A_1 = vector.load %arg1[%get3A, %get3A_0] : memref<2048x512xbf16, #tpu.memory_space<vmem>>, vector<2048x512xbf16>
    %get3A_2 = arith.constant 0 : index
    %get3A_3 = arith.constant 0 : index
    %get3A_4 = vector.load %arg2[%get3A_2, %get3A_3] : memref<1280x512xf32, #tpu.memory_space<vmem>>, vector<1280x512xf32>
    %convert_element_type3A = arith.truncf %get3A_4 : vector<1280x512xf32> to vector<1280x512xbf16>
    %dot_general3A = arith.constant dense<0.000000e+00> : vector<2048x1280xf32>
    %dot_general3A_5 = tpu.matmul %get3A_1, %convert_element_type3A, %dot_general3A {dimension_numbers = #tpu.dot_dimension_numbers<[1], [1], [0], [0], [0, 0, 1, 0], [], []>, transpose_lhs_hint = false} : vector<2048x512xbf16>, vector<1280x512xbf16>, vector<2048x1280xf32> -> vector<2048x1280xf32>
    %get3A_6 = arith.constant 0 : index
    %get3A_7 = arith.constant 0 : index
    %get3A_8 = vector.load %arg3[%get3A_6, %get3A_7] : memref<1x1280xf32, #tpu.memory_space<vmem>>, vector<1x1280xf32>
    %add3A = vector.broadcast %get3A_8 : vector<1x1280xf32> to vector<2048x1280xf32>
    %add3A_9 = arith.addf %dot_general3A_5, %add3A : vector<2048x1280xf32>
    %swap3A = arith.constant 0 : index
    %swap3A_10 = arith.constant 0 : index
    %swap3A_11 = vector.load %arg7[%swap3A, %swap3A_10] : memref<2048x1280xf32, #tpu.memory_space<vmem>>, vector<2048x1280xf32>
    tpu.vector_store %arg7[%swap3A, %swap3A_10], %add3A_9 {strides = array<i32>} : memref<2048x1280xf32, #tpu.memory_space<vmem>>, vector<2048x1280xf32>,
    %exp3A = math.exp %add3A_9 : vector<2048x1280xf32>
    %reduce_sum3A = arith.constant dense<0.000000e+00> : vector<2048xf32>
    %reduce_sum3A_12 = vector.multi_reduction <add>, %exp3A, %reduce_sum3A [1] : vector<2048x1280xf32> to vector<2048xf32>
    %broadcast_in_dim3A = vector.shape_cast %reduce_sum3A_12 : vector<2048xf32> to vector<2048x1xf32>
    %eq3A = arith.constant 0 : i32
    %eq3A_13 = arith.cmpi eq, %arg0, %eq3A : i32
    %convert_element_type3A_14 = arith.extui %eq3A_13 : i1 to i32
    %cond3A = arith.constant 0 : i32
    %cond3A_15 = arith.cmpi ne, %convert_element_type3A_14, %cond3A : i32
    scf.if %cond3A_15 {
      %swap3A_25 = arith.constant 0 : index
      %swap3A_26 = arith.constant 0 : index
      %swap3A_27 = vector.load %arg9[%swap3A_25, %swap3A_26] : memref<2048x1xf32, #tpu.memory_space<vmem>>, vector<2048x1xf32>
      tpu.vector_store %arg9[%swap3A_25, %swap3A_26], %broadcast_in_dim3A {strides = array<i32>} : memref<2048x1xf32, #tpu.memory_space<vmem>>, vector<2048x1xf32>,
      %get3A_28 = arith.constant 0 : index
      %get3A_29 = arith.constant 0 : index
      %get3A_30 = vector.load %arg1[%get3A_28, %get3A_29] : memref<2048x512xbf16, #tpu.memory_space<vmem>>, vector<2048x512xbf16>
      %convert_element_type3A_31 = arith.extf %get3A_30 : vector<2048x512xbf16> to vector<2048x512xf32>
      %get3A_32 = arith.constant 0 : index
      %get3A_33 = arith.constant 0 : index
      %get3A_34 = vector.load %arg4[%get3A_32, %get3A_33] : memref<2048x512xf32, #tpu.memory_space<vmem>>, vector<2048x512xf32>
      %mul3A = arith.mulf %convert_element_type3A_31, %get3A_34 : vector<2048x512xf32>
      %reduce_sum3A_35 = arith.constant dense<0.000000e+00> : vector<2048xf32>
      %reduce_sum3A_36 = vector.multi_reduction <add>, %mul3A, %reduce_sum3A_35 [1] : vector<2048x512xf32> to vector<2048xf32>
      %broadcast_in_dim3A_37 = vector.shape_cast %reduce_sum3A_36 : vector<2048xf32> to vector<2048x1xf32>
      %iota3A = tpu.iota {dimensions = array<i32: 1>} : vector<2048x128xi32>
      %get3A_38 = arith.constant 0 : index
      %get3A_39 = arith.constant 0 : index
      %get3A_40 = vector.load %arg6[%get3A_38, %get3A_39] : memref<2048x1xi32, #tpu.memory_space<vmem>>, vector<2048x1xi32>
      %get3A_41 = arith.constant 0 : index
      %get3A_42 = arith.constant 0 : index
      %get3A_43 = vector.load %arg6[%get3A_41, %get3A_42] : memref<2048x1xi32, #tpu.memory_space<vmem>>, vector<2048x1xi32>
      %jit3A = arith.constant 128 : i32
      %div3A = vector.broadcast %jit3A : i32 to vector<2048x1xi32>
      %div3A_44 = arith.divsi %get3A_43, %div3A : vector<2048x1xi32>
      %sign3A = arith.constant 0 : i32
      %sign3A_45 = vector.broadcast %sign3A : i32 to vector<2048x1xi32>
      %sign3A_46 = arith.cmpi sgt, %get3A_43, %sign3A_45 : vector<2048x1xi32>
      %sign3A_47 = arith.extui %sign3A_46 : vector<2048x1xi1> to vector<2048x1xi32>
      %sign3A_48 = arith.constant 0 : i32
      %sign3A_49 = vector.broadcast %sign3A_48 : i32 to vector<2048x1xi32>
      %sign3A_50 = arith.cmpi slt, %get3A_43, %sign3A_49 : vector<2048x1xi32>
      %sign3A_51 = arith.extui %sign3A_50 : vector<2048x1xi1> to vector<2048x1xi32>
      %sign3A_52 = arith.subi %sign3A_47, %sign3A_51 : vector<2048x1xi32>
      %sign3A_53 = arith.constant 0 : i32
      %sign3A_54 = arith.cmpi sgt, %jit3A, %sign3A_53 : i32
      %sign3A_55 = arith.extui %sign3A_54 : i1 to i32
      %sign3A_56 = arith.constant 0 : i32
      %sign3A_57 = arith.cmpi slt, %jit3A, %sign3A_56 : i32
      %sign3A_58 = arith.extui %sign3A_57 : i1 to i32
      %sign3A_59 = arith.subi %sign3A_55, %sign3A_58 : i32
      %ne3A = vector.broadcast %sign3A_59 : i32 to vector<2048x1xi32>
      %ne3A_60 = arith.cmpi ne, %sign3A_52, %ne3A : vector<2048x1xi32>
      %rem3A = vector.broadcast %jit3A : i32 to vector<2048x1xi32>
      %rem3A_61 = arith.remsi %get3A_43, %rem3A : vector<2048x1xi32>
      %ne3A_62 = arith.constant 0 : i32
      %ne3A_63 = vector.broadcast %ne3A_62 : i32 to vector<2048x1xi32>
      %ne3A_64 = arith.cmpi ne, %rem3A_61, %ne3A_63 : vector<2048x1xi32>
      %and3A = arith.andi %ne3A_60, %ne3A_64 : vector<2048x1xi1>
      %sub3A = arith.constant 1 : i32
      %sub3A_65 = vector.broadcast %sub3A : i32 to vector<2048x1xi32>
      %sub3A_66 = arith.subi %div3A_44, %sub3A_65 : vector<2048x1xi32>
      %select_n3A = arith.select %and3A, %sub3A_66, %div3A_44 : vector<2048x1xi1>, vector<2048x1xi32>
      %mul3A_67 = arith.constant 128 : i32
      %mul3A_68 = vector.broadcast %mul3A_67 : i32 to vector<2048x1xi32>
      %mul3A_69 = arith.muli %mul3A_68, %select_n3A : vector<2048x1xi32>
      %sub3A_70 = arith.subi %get3A_40, %mul3A_69 : vector<2048x1xi32>
      %eq3A_71 = vector.broadcast %sub3A_70 : vector<2048x1xi32> to vector<2048x128xi32>
      %eq3A_72 = arith.cmpi eq, %iota3A, %eq3A_71 : vector<2048x128xi32>
      %get3A_73 = arith.constant 0 : index
      %get3A_74 = arith.constant 0 : index
      %get3A_75 = vector.load %arg5[%get3A_73, %get3A_74] : memref<2048x128xf32, #tpu.memory_space<vmem>>, vector<2048x128xf32>
      %jit3A_76 = arith.constant 0.000000e+00 : f32
      %broadcast_in_dim3A_77 = vector.broadcast %jit3A_76 : f32 to vector<2048x128xf32>
      %select_n3A_78 = arith.select %eq3A_72, %get3A_75, %broadcast_in_dim3A_77 : vector<2048x128xi1>, vector<2048x128xf32>
      %reduce_sum3A_79 = arith.constant dense<0.000000e+00> : vector<2048xf32>
      %reduce_sum3A_80 = vector.multi_reduction <add>, %select_n3A_78, %reduce_sum3A_79 [1] : vector<2048x128xf32> to vector<2048xf32>
      %broadcast_in_dim3A_81 = vector.shape_cast %reduce_sum3A_80 : vector<2048xf32> to vector<2048x1xf32>
      %add3A_82 = arith.addf %broadcast_in_dim3A_37, %broadcast_in_dim3A_81 : vector<2048x1xf32>
      %swap3A_83 = arith.constant 0 : index
      %swap3A_84 = arith.constant 0 : index
      %swap3A_85 = vector.load %arg10[%swap3A_83, %swap3A_84] : memref<2048x1xf32, #tpu.memory_space<vmem>>, vector<2048x1xf32>
      tpu.vector_store %arg10[%swap3A_83, %swap3A_84], %add3A_82 {strides = array<i32>} : memref<2048x1xf32, #tpu.memory_space<vmem>>, vector<2048x1xf32>,
    } else {
    }
    %gt3A = arith.constant 0 : i32
    %gt3A_16 = arith.cmpi sgt, %arg0, %gt3A : i32
    %convert_element_type3A_17 = arith.extui %gt3A_16 : i1 to i32
    %cond3A_18 = arith.constant 0 : i32
    %cond3A_19 = arith.cmpi ne, %convert_element_type3A_17, %cond3A_18 : i32
    scf.if %cond3A_19 {
      %get3A_25 = arith.constant 0 : index
      %get3A_26 = arith.constant 0 : index
      %get3A_27 = vector.load %arg9[%get3A_25, %get3A_26] : memref<2048x1xf32, #tpu.memory_space<vmem>>, vector<2048x1xf32>
      %add3A_28 = arith.addf %get3A_27, %broadcast_in_dim3A : vector<2048x1xf32>
      %swap3A_29 = arith.constant 0 : index
      %swap3A_30 = arith.constant 0 : index
      %swap3A_31 = vector.load %arg9[%swap3A_29, %swap3A_30] : memref<2048x1xf32, #tpu.memory_space<vmem>>, vector<2048x1xf32>
      tpu.vector_store %arg9[%swap3A_29, %swap3A_30], %add3A_28 {strides = array<i32>} : memref<2048x1xf32, #tpu.memory_space<vmem>>, vector<2048x1xf32>,
    } else {
    }
    %eq3A_20 = arith.constant 24 : i32
    %eq3A_21 = arith.cmpi eq, %arg0, %eq3A_20 : i32
    %convert_element_type3A_22 = arith.extui %eq3A_21 : i1 to i32
    %cond3A_23 = arith.constant 0 : i32
    %cond3A_24 = arith.cmpi ne, %convert_element_type3A_22, %cond3A_23 : i32
    scf.if %cond3A_24 {
      %get3A_25 = arith.constant 0 : index
      %get3A_26 = arith.constant 0 : index
      %get3A_27 = vector.load %arg9[%get3A_25, %get3A_26] : memref<2048x1xf32, #tpu.memory_space<vmem>>, vector<2048x1xf32>
      %log3A = math.log %get3A_27 : vector<2048x1xf32>
      %reduce_sum3A_28 = vector.shape_cast %log3A : vector<2048x1xf32> to vector<1x2048x1xf32>
      %reduce_sum3A_29 = arith.constant dense<0.000000e+00> : vector<1xf32>
      %reduce_sum3A_30 = vector.multi_reduction <add>, %reduce_sum3A_28, %reduce_sum3A_29 [1, 2] : vector<1x2048x1xf32> to vector<1xf32>
      %reduce_sum3A_31 = vector.shape_cast %reduce_sum3A_30 : vector<1xf32> to vector<1x1x1xf32>
      %reduce_sum3A_32 = vector.extract %reduce_sum3A_31[0, 0, 0] : f32 from vector<1x1x1xf32>
      %get3A_33 = arith.constant 0 : index
      %get3A_34 = arith.constant 0 : index
      %get3A_35 = vector.load %arg10[%get3A_33, %get3A_34] : memref<2048x1xf32, #tpu.memory_space<vmem>>, vector<2048x1xf32>
      %reduce_sum3A_36 = vector.shape_cast %get3A_35 : vector<2048x1xf32> to vector<1x2048x1xf32>
      %reduce_sum3A_37 = arith.constant dense<0.000000e+00> : vector<1xf32>
      %reduce_sum3A_38 = vector.multi_reduction <add>, %reduce_sum3A_36, %reduce_sum3A_37 [1, 2] : vector<1x2048x1xf32> to vector<1xf32>
      %reduce_sum3A_39 = vector.shape_cast %reduce_sum3A_38 : vector<1xf32> to vector<1x1x1xf32>
      %reduce_sum3A_40 = vector.extract %reduce_sum3A_39[0, 0, 0] : f32 from vector<1x1x1xf32>
      %sub3A = arith.subf %reduce_sum3A_32, %reduce_sum3A_40 : f32
      %div3A = arith.constant 2.048000e+03 : f32
      %div3A_41 = arith.divf %sub3A, %div3A : f32
      %broadcast_in_dim3A_42 = vector.broadcast %div3A_41 : f32 to vector<1x1xf32>
      %swap3A_43 = arith.constant 0 : index
      %swap3A_44 = arith.constant 0 : index
      %swap3A_45 = vector.load %arg8[%swap3A_43, %swap3A_44] : memref<1x1xf32, #tpu.memory_space<vmem>>, vector<1x1xf32>
      tpu.vector_store %arg8[%swap3A_43, %swap3A_44], %broadcast_in_dim3A_42 {strides = array<i32>} : memref<1x1xf32, #tpu.memory_space<vmem>>, vector<1x1xf32>,
    } else {
    }
    return
  }
  func.func @transform_0(%arg0: i32) -> (i32, i32) {
    %c0_i32 = arith.constant 0 : i32
    %c0_i32_0 = arith.constant 0 : i32
    %c0_i32_1 = arith.constant 0 : i32
    return %c0_i32, %c0_i32_0 : i32, i32
  }
  func.func @transform_1(%arg0: i32) -> (i32, i32) {
    %c0_i32 = arith.constant 0 : i32
    %c0_i32_0 = arith.constant 0 : i32
    return %arg0, %c0_i32 : i32, i32
  }
  func.func @transform_2(%arg0: i32) -> (i32, i32) {
    %c0_i32 = arith.constant 0 : i32
    %c0_i32_0 = arith.constant 0 : i32
    return %c0_i32, %arg0 : i32, i32
  }
  func.func @transform_3(%arg0: i32) -> (i32, i32) {
    %c0_i32 = arith.constant 0 : i32
    %c0_i32_0 = arith.constant 0 : i32
    %c0_i32_1 = arith.constant 0 : i32
    return %c0_i32, %c0_i32_0 : i32, i32
  }
  func.func @transform_4(%arg0: i32) -> (i32, i32) {
    %c0_i32 = arith.constant 0 : i32
    %c0_i32_0 = arith.constant 0 : i32
    %c0_i32_1 = arith.constant 0 : i32
    return %c0_i32, %c0_i32_0 : i32, i32
  }
  func.func @transform_5(%arg0: i32) -> (i32, i32) {
    %c0_i32 = arith.constant 0 : i32
    %c0_i32_0 = arith.constant 0 : i32
    %c0_i32_1 = arith.constant 0 : i32
    return %c0_i32, %c0_i32_0 : i32, i32
  }
  func.func @transform_6(%arg0: i32) -> (i32, i32) {
    %c0_i32 = arith.constant 0 : i32
    %c0_i32_0 = arith.constant 0 : i32
    return %c0_i32, %arg0 : i32, i32
  }
  func.func @transform_7(%arg0: i32) -> (i32, i32) {
    %c0_i32 = arith.constant 0 : i32
    %c0_i32_0 = arith.constant 0 : i32
    %c0_i32_1 = arith.constant 0 : i32
    return %c0_i32, %c0_i32_0 : i32, i32
  }
}

module attributes {stable_mosaic.version = 14 : i64} {
  func.func @_layer_body(%arg0: i32, %arg1: memref<2048x512xf32, #tpu.memory_space<vmem>>, %arg2: memref<256x512xf32, #tpu.memory_space<vmem>>, %arg3: memref<256x512xf32, #tpu.memory_space<vmem>>, %arg4: memref<1536x512xf32, #tpu.memory_space<vmem>>, %arg5: memref<1x1536xf32, #tpu.memory_space<vmem>>, %arg6: memref<512x512xf32, #tpu.memory_space<vmem>>, %arg7: memref<1x512xf32, #tpu.memory_space<vmem>>, %arg8: memref<256x512xf32, #tpu.memory_space<vmem>>, %arg9: memref<1x256xf32, #tpu.memory_space<vmem>>, %arg10: memref<512x256xf32, #tpu.memory_space<vmem>>, %arg11: memref<1x512xf32, #tpu.memory_space<vmem>>, %arg12: memref<1x512xf32, #tpu.memory_space<vmem>>, %arg13: memref<1x512xf32, #tpu.memory_space<vmem>>, %arg14: memref<1x512xf32, #tpu.memory_space<vmem>>, %arg15: memref<1x512xf32, #tpu.memory_space<vmem>>, %arg16: memref<2048x512xbf16, #tpu.memory_space<vmem>>) attributes {dimension_semantics = [#tpu.dimension_semantics<arbitrary>], iteration_bounds = array<i64: 1>, scalar_prefetch = 0 : i64, scratch_operands = 0 : i64, tpu.core_type = #tpu.core_type<tc>, window_params = [{pipeline_mode = #tpu.pipeline_mode<synchronous>, transform_indices = @transform_0, window_bounds = array<i64: 2048, 512>}, {pipeline_mode = #tpu.pipeline_mode<synchronous>, transform_indices = @transform_1, window_bounds = array<i64: 256, 512>}, {pipeline_mode = #tpu.pipeline_mode<synchronous>, transform_indices = @transform_2, window_bounds = array<i64: 256, 512>}, {pipeline_mode = #tpu.pipeline_mode<synchronous>, transform_indices = @transform_3, window_bounds = array<i64: 1536, 512>}, {pipeline_mode = #tpu.pipeline_mode<synchronous>, transform_indices = @transform_4, window_bounds = array<i64: 1, 1536>}, {pipeline_mode = #tpu.pipeline_mode<synchronous>, transform_indices = @transform_5, window_bounds = array<i64: 512, 512>}, {pipeline_mode = #tpu.pipeline_mode<synchronous>, transform_indices = @transform_6, window_bounds = array<i64: 1, 512>}, {pipeline_mode = #tpu.pipeline_mode<synchronous>, transform_indices = @transform_7, window_bounds = array<i64: 256, 512>}, {pipeline_mode = #tpu.pipeline_mode<synchronous>, transform_indices = @transform_8, window_bounds = array<i64: 1, 256>}, {pipeline_mode = #tpu.pipeline_mode<synchronous>, transform_indices = @transform_9, window_bounds = array<i64: 512, 256>}, {pipeline_mode = #tpu.pipeline_mode<synchronous>, transform_indices = @transform_10, window_bounds = array<i64: 1, 512>}, {pipeline_mode = #tpu.pipeline_mode<synchronous>, transform_indices = @transform_11, window_bounds = array<i64: 1, 512>}, {pipeline_mode = #tpu.pipeline_mode<synchronous>, transform_indices = @transform_12, window_bounds = array<i64: 1, 512>}, {pipeline_mode = #tpu.pipeline_mode<synchronous>, transform_indices = @transform_13, window_bounds = array<i64: 1, 512>}, {pipeline_mode = #tpu.pipeline_mode<synchronous>, transform_indices = @transform_14, window_bounds = array<i64: 1, 512>}, {pipeline_mode = #tpu.pipeline_mode<synchronous>, transform_indices = @transform_15, window_bounds = array<i64: 2048, 512>}]} {
    %get3A = arith.constant 0 : index
    %get3A_0 = arith.constant 0 : index
    %get3A_1 = vector.load %arg1[%get3A, %get3A_0] : memref<2048x512xf32, #tpu.memory_space<vmem>>, vector<512x512xf32>
    %reduce_sum3A = arith.constant dense<0.000000e+00> : vector<512xf32>
    %reduce_sum3A_2 = vector.multi_reduction <add>, %get3A_1, %reduce_sum3A [0] : vector<512x512xf32> to vector<512xf32>
    %broadcast_in_dim3A = vector.shape_cast %reduce_sum3A_2 : vector<512xf32> to vector<1x512xf32>
    %div3A = arith.constant 5.120000e+02 : f32
    %div3A_3 = vector.broadcast %div3A : f32 to vector<1x512xf32>
    %div3A_4 = arith.divf %broadcast_in_dim3A, %div3A_3 : vector<1x512xf32>
    %get3A_5 = arith.constant 0 : index
    %get3A_6 = arith.constant 0 : index
    %get3A_7 = vector.load %arg2[%get3A_5, %get3A_6] : memref<256x512xf32, #tpu.memory_space<vmem>>, vector<256x512xf32>
    %mul3A = arith.mulf %get3A_7, %get3A_7 : vector<256x512xf32>
    %reduce_sum3A_8 = arith.constant dense<0.000000e+00> : vector<256xf32>
    %reduce_sum3A_9 = vector.multi_reduction <add>, %mul3A, %reduce_sum3A_8 [1] : vector<256x512xf32> to vector<256xf32>
    %broadcast_in_dim3A_10 = vector.shape_cast %reduce_sum3A_9 : vector<256xf32> to vector<256x1xf32>
    %max3A = arith.constant 1.000000e-16 : f32
    %max3A_11 = vector.broadcast %max3A : f32 to vector<256x1xf32>
    %max3A_12 = arith.maximumf %broadcast_in_dim3A_10, %max3A_11 : vector<256x1xf32>
    %rsqrt3A = math.rsqrt %max3A_12 : vector<256x1xf32>
    %mul3A_13 = vector.broadcast %rsqrt3A : vector<256x1xf32> to vector<256x512xf32>
    %mul3A_14 = arith.mulf %get3A_7, %mul3A_13 : vector<256x512xf32>
    %mul3A_15 = vector.broadcast %div3A_4 : vector<1x512xf32> to vector<256x512xf32>
    %mul3A_16 = arith.mulf %mul3A_14, %mul3A_15 : vector<256x512xf32>
    %reduce_sum3A_17 = arith.constant dense<0.000000e+00> : vector<256xf32>
    %reduce_sum3A_18 = vector.multi_reduction <add>, %mul3A_16, %reduce_sum3A_17 [1] : vector<256x512xf32> to vector<256xf32>
    %broadcast_in_dim3A_19 = vector.shape_cast %reduce_sum3A_18 : vector<256xf32> to vector<256x1xf32>
    %reduce_max3A = arith.constant dense<0xFF800000> : vector<1xf32>
    %reduce_max3A_20 = vector.multi_reduction <maximumf>, %broadcast_in_dim3A_19, %reduce_max3A [0] : vector<256x1xf32> to vector<1xf32>
    %broadcast_in_dim3A_21 = vector.shape_cast %reduce_max3A_20 : vector<1xf32> to vector<1x1xf32>
    %iota3A = tpu.iota {dimensions = array<i32: 0>} : vector<256x1xi32>
    %ge3A = vector.broadcast %broadcast_in_dim3A_21 : vector<1x1xf32> to vector<256x1xf32>
    %ge3A_22 = arith.cmpf oge, %broadcast_in_dim3A_19, %ge3A : vector<256x1xf32>
    %jit3A = arith.constant 257 : i32
    %broadcast_in_dim3A_23 = vector.broadcast %jit3A : i32 to vector<256x1xi32>
    %select_n3A = arith.select %ge3A_22, %iota3A, %broadcast_in_dim3A_23 : vector<256x1xi1>, vector<256x1xi32>
    %reduce_min3A = arith.constant dense<2147483647> : vector<1xi32>
    %reduce_min3A_24 = vector.multi_reduction <minsi>, %select_n3A, %reduce_min3A [0] : vector<256x1xi32> to vector<1xi32>
    %broadcast_in_dim3A_25 = vector.shape_cast %reduce_min3A_24 : vector<1xi32> to vector<1x1xi32>
    %eq3A = vector.broadcast %broadcast_in_dim3A_25 : vector<1x1xi32> to vector<256x1xi32>
    %eq3A_26 = arith.cmpi eq, %iota3A, %eq3A : vector<256x1xi32>
    %convert_element_type3A = arith.extui %eq3A_26 : vector<256x1xi1> to vector<256x1xi32>
    %convert_element_type3A_27 = arith.sitofp %convert_element_type3A : vector<256x1xi32> to vector<256x1xf32>
    %get3A_28 = arith.constant 0 : index
    %get3A_29 = arith.constant 0 : index
    %get3A_30 = vector.load %arg3[%get3A_28, %get3A_29] : memref<256x512xf32, #tpu.memory_space<vmem>>, vector<256x512xf32>
    %mul3A_31 = vector.broadcast %convert_element_type3A_27 : vector<256x1xf32> to vector<256x512xf32>
    %mul3A_32 = arith.mulf %mul3A_31, %get3A_30 : vector<256x512xf32>
    %reduce_sum3A_33 = arith.constant dense<0.000000e+00> : vector<512xf32>
    %reduce_sum3A_34 = vector.multi_reduction <add>, %mul3A_32, %reduce_sum3A_33 [0] : vector<256x512xf32> to vector<512xf32>
    %broadcast_in_dim3A_35 = vector.shape_cast %reduce_sum3A_34 : vector<512xf32> to vector<1x512xf32>
    %add3A = vector.broadcast %broadcast_in_dim3A_35 : vector<1x512xf32> to vector<512x512xf32>
    %add3A_36 = arith.addf %get3A_1, %add3A : vector<512x512xf32>
    %get3A_37 = arith.constant 0 : index
    %get3A_38 = arith.constant 0 : index
    %get3A_39 = vector.load %arg4[%get3A_37, %get3A_38] : memref<1536x512xf32, #tpu.memory_space<vmem>>, vector<1536x512xf32>
    %convert_element_type3A_40 = arith.truncf %add3A_36 : vector<512x512xf32> to vector<512x512xbf16>
    %convert_element_type3A_41 = arith.truncf %get3A_39 : vector<1536x512xf32> to vector<1536x512xbf16>
    %dot_general3A = arith.constant dense<0.000000e+00> : vector<512x1536xf32>
    %dot_general3A_42 = tpu.matmul %convert_element_type3A_40, %convert_element_type3A_41, %dot_general3A {dimension_numbers = #tpu.dot_dimension_numbers<[1], [1], [0], [0], [0, 0, 1, 0], [], []>, transpose_lhs_hint = false} : vector<512x512xbf16>, vector<1536x512xbf16>, vector<512x1536xf32> -> vector<512x1536xf32>
    %get3A_43 = arith.constant 0 : index
    %get3A_44 = arith.constant 0 : index
    %get3A_45 = vector.load %arg5[%get3A_43, %get3A_44] : memref<1x1536xf32, #tpu.memory_space<vmem>>, vector<1x1536xf32>
    %add3A_46 = vector.broadcast %get3A_45 : vector<1x1536xf32> to vector<512x1536xf32>
    %add3A_47 = arith.addf %dot_general3A_42, %add3A_46 : vector<512x1536xf32>
    %slice3A = vector.extract_strided_slice %add3A_47 {offsets = [0, 0], sizes = [512, 512], strides = [1, 1]} : vector<512x1536xf32> to vector<512x512xf32>
    %slice3A_48 = vector.extract_strided_slice %add3A_47 {offsets = [0, 512], sizes = [512, 512], strides = [1, 1]} : vector<512x1536xf32> to vector<512x512xf32>
    %slice3A_49 = vector.extract_strided_slice %add3A_47 {offsets = [0, 1024], sizes = [512, 512], strides = [1, 1]} : vector<512x1536xf32> to vector<512x512xf32>
    %slice3A_50 = vector.extract_strided_slice %slice3A {offsets = [0, 0], sizes = [512, 128], strides = [1, 1]} : vector<512x512xf32> to vector<512x128xf32>
    %slice3A_51 = vector.extract_strided_slice %slice3A_48 {offsets = [0, 0], sizes = [512, 128], strides = [1, 1]} : vector<512x512xf32> to vector<512x128xf32>
    %slice3A_52 = vector.extract_strided_slice %slice3A_49 {offsets = [0, 0], sizes = [512, 128], strides = [1, 1]} : vector<512x512xf32> to vector<512x128xf32>
    %convert_element_type3A_53 = arith.truncf %slice3A_50 : vector<512x128xf32> to vector<512x128xbf16>
    %convert_element_type3A_54 = arith.truncf %slice3A_51 : vector<512x128xf32> to vector<512x128xbf16>
    %dot_general3A_55 = arith.constant dense<0.000000e+00> : vector<512x512xf32>
    %dot_general3A_56 = tpu.matmul %convert_element_type3A_53, %convert_element_type3A_54, %dot_general3A_55 {dimension_numbers = #tpu.dot_dimension_numbers<[1], [1], [0], [0], [0, 0, 1, 0], [], []>, transpose_lhs_hint = false} : vector<512x128xbf16>, vector<512x128xbf16>, vector<512x512xf32> -> vector<512x512xf32>
    %mul3A_57 = arith.constant 0.0883883461 : f32
    %mul3A_58 = vector.broadcast %mul3A_57 : f32 to vector<512x512xf32>
    %mul3A_59 = arith.mulf %dot_general3A_56, %mul3A_58 : vector<512x512xf32>
    %reduce_max3A_60 = arith.constant dense<0xFF800000> : vector<512xf32>
    %reduce_max3A_61 = vector.multi_reduction <maximumf>, %mul3A_59, %reduce_max3A_60 [1] : vector<512x512xf32> to vector<512xf32>
    %broadcast_in_dim3A_62 = vector.shape_cast %reduce_max3A_61 : vector<512xf32> to vector<512x1xf32>
    %sub3A = vector.broadcast %broadcast_in_dim3A_62 : vector<512x1xf32> to vector<512x512xf32>
    %sub3A_63 = arith.subf %mul3A_59, %sub3A : vector<512x512xf32>
    %exp3A = math.exp %sub3A_63 : vector<512x512xf32>
    %reduce_sum3A_64 = arith.constant dense<0.000000e+00> : vector<512xf32>
    %reduce_sum3A_65 = vector.multi_reduction <add>, %exp3A, %reduce_sum3A_64 [1] : vector<512x512xf32> to vector<512xf32>
    %broadcast_in_dim3A_66 = vector.shape_cast %reduce_sum3A_65 : vector<512xf32> to vector<512x1xf32>
    %div3A_67 = vector.broadcast %broadcast_in_dim3A_66 : vector<512x1xf32> to vector<512x512xf32>
    %div3A_68 = arith.divf %exp3A, %div3A_67 : vector<512x512xf32>
    %convert_element_type3A_69 = arith.truncf %div3A_68 : vector<512x512xf32> to vector<512x512xbf16>
    %convert_element_type3A_70 = arith.truncf %slice3A_52 : vector<512x128xf32> to vector<512x128xbf16>
    %dot_general3A_71 = arith.constant dense<0.000000e+00> : vector<512x128xf32>
    %dot_general3A_72 = tpu.matmul %convert_element_type3A_69, %convert_element_type3A_70, %dot_general3A_71 {dimension_numbers = #tpu.dot_dimension_numbers<[1], [0], [0], [1], [0, 0, 1, 1], [], []>, transpose_lhs_hint = false} : vector<512x512xbf16>, vector<512x128xbf16>, vector<512x128xf32> -> vector<512x128xf32>
    %slice3A_73 = vector.extract_strided_slice %slice3A {offsets = [0, 128], sizes = [512, 128], strides = [1, 1]} : vector<512x512xf32> to vector<512x128xf32>
    %slice3A_74 = vector.extract_strided_slice %slice3A_48 {offsets = [0, 128], sizes = [512, 128], strides = [1, 1]} : vector<512x512xf32> to vector<512x128xf32>
    %slice3A_75 = vector.extract_strided_slice %slice3A_49 {offsets = [0, 128], sizes = [512, 128], strides = [1, 1]} : vector<512x512xf32> to vector<512x128xf32>
    %convert_element_type3A_76 = arith.truncf %slice3A_73 : vector<512x128xf32> to vector<512x128xbf16>
    %convert_element_type3A_77 = arith.truncf %slice3A_74 : vector<512x128xf32> to vector<512x128xbf16>
    %dot_general3A_78 = arith.constant dense<0.000000e+00> : vector<512x512xf32>
    %dot_general3A_79 = tpu.matmul %convert_element_type3A_76, %convert_element_type3A_77, %dot_general3A_78 {dimension_numbers = #tpu.dot_dimension_numbers<[1], [1], [0], [0], [0, 0, 1, 0], [], []>, transpose_lhs_hint = false} : vector<512x128xbf16>, vector<512x128xbf16>, vector<512x512xf32> -> vector<512x512xf32>
    %mul3A_80 = arith.constant 0.0883883461 : f32
    %mul3A_81 = vector.broadcast %mul3A_80 : f32 to vector<512x512xf32>
    %mul3A_82 = arith.mulf %dot_general3A_79, %mul3A_81 : vector<512x512xf32>
    %reduce_max3A_83 = arith.constant dense<0xFF800000> : vector<512xf32>
    %reduce_max3A_84 = vector.multi_reduction <maximumf>, %mul3A_82, %reduce_max3A_83 [1] : vector<512x512xf32> to vector<512xf32>
    %broadcast_in_dim3A_85 = vector.shape_cast %reduce_max3A_84 : vector<512xf32> to vector<512x1xf32>
    %sub3A_86 = vector.broadcast %broadcast_in_dim3A_85 : vector<512x1xf32> to vector<512x512xf32>
    %sub3A_87 = arith.subf %mul3A_82, %sub3A_86 : vector<512x512xf32>
    %exp3A_88 = math.exp %sub3A_87 : vector<512x512xf32>
    %reduce_sum3A_89 = arith.constant dense<0.000000e+00> : vector<512xf32>
    %reduce_sum3A_90 = vector.multi_reduction <add>, %exp3A_88, %reduce_sum3A_89 [1] : vector<512x512xf32> to vector<512xf32>
    %broadcast_in_dim3A_91 = vector.shape_cast %reduce_sum3A_90 : vector<512xf32> to vector<512x1xf32>
    %div3A_92 = vector.broadcast %broadcast_in_dim3A_91 : vector<512x1xf32> to vector<512x512xf32>
    %div3A_93 = arith.divf %exp3A_88, %div3A_92 : vector<512x512xf32>
    %convert_element_type3A_94 = arith.truncf %div3A_93 : vector<512x512xf32> to vector<512x512xbf16>
    %convert_element_type3A_95 = arith.truncf %slice3A_75 : vector<512x128xf32> to vector<512x128xbf16>
    %dot_general3A_96 = arith.constant dense<0.000000e+00> : vector<512x128xf32>
    %dot_general3A_97 = tpu.matmul %convert_element_type3A_94, %convert_element_type3A_95, %dot_general3A_96 {dimension_numbers = #tpu.dot_dimension_numbers<[1], [0], [0], [1], [0, 0, 1, 1], [], []>, transpose_lhs_hint = false} : vector<512x512xbf16>, vector<512x128xbf16>, vector<512x128xf32> -> vector<512x128xf32>
    %slice3A_98 = vector.extract_strided_slice %slice3A {offsets = [0, 256], sizes = [512, 128], strides = [1, 1]} : vector<512x512xf32> to vector<512x128xf32>
    %slice3A_99 = vector.extract_strided_slice %slice3A_48 {offsets = [0, 256], sizes = [512, 128], strides = [1, 1]} : vector<512x512xf32> to vector<512x128xf32>
    %slice3A_100 = vector.extract_strided_slice %slice3A_49 {offsets = [0, 256], sizes = [512, 128], strides = [1, 1]} : vector<512x512xf32> to vector<512x128xf32>
    %convert_element_type3A_101 = arith.truncf %slice3A_98 : vector<512x128xf32> to vector<512x128xbf16>
    %convert_element_type3A_102 = arith.truncf %slice3A_99 : vector<512x128xf32> to vector<512x128xbf16>
    %dot_general3A_103 = arith.constant dense<0.000000e+00> : vector<512x512xf32>
    %dot_general3A_104 = tpu.matmul %convert_element_type3A_101, %convert_element_type3A_102, %dot_general3A_103 {dimension_numbers = #tpu.dot_dimension_numbers<[1], [1], [0], [0], [0, 0, 1, 0], [], []>, transpose_lhs_hint = false} : vector<512x128xbf16>, vector<512x128xbf16>, vector<512x512xf32> -> vector<512x512xf32>
    %mul3A_105 = arith.constant 0.0883883461 : f32
    %mul3A_106 = vector.broadcast %mul3A_105 : f32 to vector<512x512xf32>
    %mul3A_107 = arith.mulf %dot_general3A_104, %mul3A_106 : vector<512x512xf32>
    %reduce_max3A_108 = arith.constant dense<0xFF800000> : vector<512xf32>
    %reduce_max3A_109 = vector.multi_reduction <maximumf>, %mul3A_107, %reduce_max3A_108 [1] : vector<512x512xf32> to vector<512xf32>
    %broadcast_in_dim3A_110 = vector.shape_cast %reduce_max3A_109 : vector<512xf32> to vector<512x1xf32>
    %sub3A_111 = vector.broadcast %broadcast_in_dim3A_110 : vector<512x1xf32> to vector<512x512xf32>
    %sub3A_112 = arith.subf %mul3A_107, %sub3A_111 : vector<512x512xf32>
    %exp3A_113 = math.exp %sub3A_112 : vector<512x512xf32>
    %reduce_sum3A_114 = arith.constant dense<0.000000e+00> : vector<512xf32>
    %reduce_sum3A_115 = vector.multi_reduction <add>, %exp3A_113, %reduce_sum3A_114 [1] : vector<512x512xf32> to vector<512xf32>
    %broadcast_in_dim3A_116 = vector.shape_cast %reduce_sum3A_115 : vector<512xf32> to vector<512x1xf32>
    %div3A_117 = vector.broadcast %broadcast_in_dim3A_116 : vector<512x1xf32> to vector<512x512xf32>
    %div3A_118 = arith.divf %exp3A_113, %div3A_117 : vector<512x512xf32>
    %convert_element_type3A_119 = arith.truncf %div3A_118 : vector<512x512xf32> to vector<512x512xbf16>
    %convert_element_type3A_120 = arith.truncf %slice3A_100 : vector<512x128xf32> to vector<512x128xbf16>
    %dot_general3A_121 = arith.constant dense<0.000000e+00> : vector<512x128xf32>
    %dot_general3A_122 = tpu.matmul %convert_element_type3A_119, %convert_element_type3A_120, %dot_general3A_121 {dimension_numbers = #tpu.dot_dimension_numbers<[1], [0], [0], [1], [0, 0, 1, 1], [], []>, transpose_lhs_hint = false} : vector<512x512xbf16>, vector<512x128xbf16>, vector<512x128xf32> -> vector<512x128xf32>
    %slice3A_123 = vector.extract_strided_slice %slice3A {offsets = [0, 384], sizes = [512, 128], strides = [1, 1]} : vector<512x512xf32> to vector<512x128xf32>
    %slice3A_124 = vector.extract_strided_slice %slice3A_48 {offsets = [0, 384], sizes = [512, 128], strides = [1, 1]} : vector<512x512xf32> to vector<512x128xf32>
    %slice3A_125 = vector.extract_strided_slice %slice3A_49 {offsets = [0, 384], sizes = [512, 128], strides = [1, 1]} : vector<512x512xf32> to vector<512x128xf32>
    %convert_element_type3A_126 = arith.truncf %slice3A_123 : vector<512x128xf32> to vector<512x128xbf16>
    %convert_element_type3A_127 = arith.truncf %slice3A_124 : vector<512x128xf32> to vector<512x128xbf16>
    %dot_general3A_128 = arith.constant dense<0.000000e+00> : vector<512x512xf32>
    %dot_general3A_129 = tpu.matmul %convert_element_type3A_126, %convert_element_type3A_127, %dot_general3A_128 {dimension_numbers = #tpu.dot_dimension_numbers<[1], [1], [0], [0], [0, 0, 1, 0], [], []>, transpose_lhs_hint = false} : vector<512x128xbf16>, vector<512x128xbf16>, vector<512x512xf32> -> vector<512x512xf32>
    %mul3A_130 = arith.constant 0.0883883461 : f32
    %mul3A_131 = vector.broadcast %mul3A_130 : f32 to vector<512x512xf32>
    %mul3A_132 = arith.mulf %dot_general3A_129, %mul3A_131 : vector<512x512xf32>
    %reduce_max3A_133 = arith.constant dense<0xFF800000> : vector<512xf32>
    %reduce_max3A_134 = vector.multi_reduction <maximumf>, %mul3A_132, %reduce_max3A_133 [1] : vector<512x512xf32> to vector<512xf32>
    %broadcast_in_dim3A_135 = vector.shape_cast %reduce_max3A_134 : vector<512xf32> to vector<512x1xf32>
    %sub3A_136 = vector.broadcast %broadcast_in_dim3A_135 : vector<512x1xf32> to vector<512x512xf32>
    %sub3A_137 = arith.subf %mul3A_132, %sub3A_136 : vector<512x512xf32>
    %exp3A_138 = math.exp %sub3A_137 : vector<512x512xf32>
    %reduce_sum3A_139 = arith.constant dense<0.000000e+00> : vector<512xf32>
    %reduce_sum3A_140 = vector.multi_reduction <add>, %exp3A_138, %reduce_sum3A_139 [1] : vector<512x512xf32> to vector<512xf32>
    %broadcast_in_dim3A_141 = vector.shape_cast %reduce_sum3A_140 : vector<512xf32> to vector<512x1xf32>
    %div3A_142 = vector.broadcast %broadcast_in_dim3A_141 : vector<512x1xf32> to vector<512x512xf32>
    %div3A_143 = arith.divf %exp3A_138, %div3A_142 : vector<512x512xf32>
    %convert_element_type3A_144 = arith.truncf %div3A_143 : vector<512x512xf32> to vector<512x512xbf16>
    %convert_element_type3A_145 = arith.truncf %slice3A_125 : vector<512x128xf32> to vector<512x128xbf16>
    %dot_general3A_146 = arith.constant dense<0.000000e+00> : vector<512x128xf32>
    %dot_general3A_147 = tpu.matmul %convert_element_type3A_144, %convert_element_type3A_145, %dot_general3A_146 {dimension_numbers = #tpu.dot_dimension_numbers<[1], [0], [0], [1], [0, 0, 1, 1], [], []>, transpose_lhs_hint = false} : vector<512x512xbf16>, vector<512x128xbf16>, vector<512x128xf32> -> vector<512x128xf32>
    %concatenate3A = tpu.concatenate %dot_general3A_72, %dot_general3A_97, %dot_general3A_122, %dot_general3A_147 in 1 : vector<512x128xf32>, vector<512x128xf32>, vector<512x128xf32>, vector<512x128xf32> -> vector<512x512xf32>
    %get3A_148 = arith.constant 0 : index
    %get3A_149 = arith.constant 0 : index
    %get3A_150 = vector.load %arg6[%get3A_148, %get3A_149] : memref<512x512xf32, #tpu.memory_space<vmem>>, vector<512x512xf32>
    %convert_element_type3A_151 = arith.truncf %concatenate3A : vector<512x512xf32> to vector<512x512xbf16>
    %convert_element_type3A_152 = arith.truncf %get3A_150 : vector<512x512xf32> to vector<512x512xbf16>
    %dot_general3A_153 = arith.constant dense<0.000000e+00> : vector<512x512xf32>
    %dot_general3A_154 = tpu.matmul %convert_element_type3A_151, %convert_element_type3A_152, %dot_general3A_153 {dimension_numbers = #tpu.dot_dimension_numbers<[1], [1], [0], [0], [0, 0, 1, 0], [], []>, transpose_lhs_hint = false} : vector<512x512xbf16>, vector<512x512xbf16>, vector<512x512xf32> -> vector<512x512xf32>
    %get3A_155 = arith.constant 0 : index
    %get3A_156 = arith.constant 0 : index
    %get3A_157 = vector.load %arg7[%get3A_155, %get3A_156] : memref<1x512xf32, #tpu.memory_space<vmem>>, vector<1x512xf32>
    %add3A_158 = vector.broadcast %get3A_157 : vector<1x512xf32> to vector<512x512xf32>
    %add3A_159 = arith.addf %dot_general3A_154, %add3A_158 : vector<512x512xf32>
    %add3A_160 = arith.addf %add3A_36, %add3A_159 : vector<512x512xf32>
    %get3A_161 = arith.constant 0 : index
    %get3A_162 = arith.constant 0 : index
    %get3A_163 = vector.load %arg12[%get3A_161, %get3A_162] : memref<1x512xf32, #tpu.memory_space<vmem>>, vector<1x512xf32>
    %get3A_164 = arith.constant 0 : index
    %get3A_165 = arith.constant 0 : index
    %get3A_166 = vector.load %arg13[%get3A_164, %get3A_165] : memref<1x512xf32, #tpu.memory_space<vmem>>, vector<1x512xf32>
    %reduce_sum3A_167 = arith.constant dense<0.000000e+00> : vector<512xf32>
    %reduce_sum3A_168 = vector.multi_reduction <add>, %add3A_160, %reduce_sum3A_167 [1] : vector<512x512xf32> to vector<512xf32>
    %broadcast_in_dim3A_169 = vector.shape_cast %reduce_sum3A_168 : vector<512xf32> to vector<512x1xf32>
    %div3A_170 = arith.constant 5.120000e+02 : f32
    %div3A_171 = vector.broadcast %div3A_170 : f32 to vector<512x1xf32>
    %div3A_172 = arith.divf %broadcast_in_dim3A_169, %div3A_171 : vector<512x1xf32>
    %sub3A_173 = vector.broadcast %div3A_172 : vector<512x1xf32> to vector<512x512xf32>
    %sub3A_174 = arith.subf %add3A_160, %sub3A_173 : vector<512x512xf32>
    %integer_pow3A = arith.mulf %sub3A_174, %sub3A_174 : vector<512x512xf32>
    %reduce_sum3A_175 = arith.constant dense<0.000000e+00> : vector<512xf32>
    %reduce_sum3A_176 = vector.multi_reduction <add>, %integer_pow3A, %reduce_sum3A_175 [1] : vector<512x512xf32> to vector<512xf32>
    %broadcast_in_dim3A_177 = vector.shape_cast %reduce_sum3A_176 : vector<512xf32> to vector<512x1xf32>
    %div3A_178 = arith.constant 5.120000e+02 : f32
    %div3A_179 = vector.broadcast %div3A_178 : f32 to vector<512x1xf32>
    %div3A_180 = arith.divf %broadcast_in_dim3A_177, %div3A_179 : vector<512x1xf32>
    %sub3A_181 = vector.broadcast %div3A_172 : vector<512x1xf32> to vector<512x512xf32>
    %sub3A_182 = arith.subf %add3A_160, %sub3A_181 : vector<512x512xf32>
    %add3A_183 = arith.constant 9.99999974E-6 : f32
    %add3A_184 = vector.broadcast %add3A_183 : f32 to vector<512x1xf32>
    %add3A_185 = arith.addf %div3A_180, %add3A_184 : vector<512x1xf32>
    %rsqrt3A_186 = math.rsqrt %add3A_185 : vector<512x1xf32>
    %mul3A_187 = vector.broadcast %rsqrt3A_186 : vector<512x1xf32> to vector<512x512xf32>
    %mul3A_188 = arith.mulf %sub3A_182, %mul3A_187 : vector<512x512xf32>
    %mul3A_189 = vector.broadcast %get3A_163 : vector<1x512xf32> to vector<512x512xf32>
    %mul3A_190 = arith.mulf %mul3A_188, %mul3A_189 : vector<512x512xf32>
    %add3A_191 = vector.broadcast %get3A_166 : vector<1x512xf32> to vector<512x512xf32>
    %add3A_192 = arith.addf %mul3A_190, %add3A_191 : vector<512x512xf32>
    %get3A_193 = arith.constant 0 : index
    %get3A_194 = arith.constant 0 : index
    %get3A_195 = vector.load %arg8[%get3A_193, %get3A_194] : memref<256x512xf32, #tpu.memory_space<vmem>>, vector<256x512xf32>
    %convert_element_type3A_196 = arith.truncf %add3A_192 : vector<512x512xf32> to vector<512x512xbf16>
    %convert_element_type3A_197 = arith.truncf %get3A_195 : vector<256x512xf32> to vector<256x512xbf16>
    %dot_general3A_198 = arith.constant dense<0.000000e+00> : vector<512x256xf32>
    %dot_general3A_199 = tpu.matmul %convert_element_type3A_196, %convert_element_type3A_197, %dot_general3A_198 {dimension_numbers = #tpu.dot_dimension_numbers<[1], [1], [0], [0], [0, 0, 1, 0], [], []>, transpose_lhs_hint = false} : vector<512x512xbf16>, vector<256x512xbf16>, vector<512x256xf32> -> vector<512x256xf32>
    %get3A_200 = arith.constant 0 : index
    %get3A_201 = arith.constant 0 : index
    %get3A_202 = vector.load %arg9[%get3A_200, %get3A_201] : memref<1x256xf32, #tpu.memory_space<vmem>>, vector<1x256xf32>
    %add3A_203 = vector.broadcast %get3A_202 : vector<1x256xf32> to vector<512x256xf32>
    %add3A_204 = arith.addf %dot_general3A_199, %add3A_203 : vector<512x256xf32>
    %max3A_205 = arith.constant 0.000000e+00 : f32
    %max3A_206 = vector.broadcast %max3A_205 : f32 to vector<512x256xf32>
    %max3A_207 = arith.maximumf %add3A_204, %max3A_206 : vector<512x256xf32>
    %get3A_208 = arith.constant 0 : index
    %get3A_209 = arith.constant 0 : index
    %get3A_210 = vector.load %arg10[%get3A_208, %get3A_209] : memref<512x256xf32, #tpu.memory_space<vmem>>, vector<512x256xf32>
    %convert_element_type3A_211 = arith.truncf %max3A_207 : vector<512x256xf32> to vector<512x256xbf16>
    %convert_element_type3A_212 = arith.truncf %get3A_210 : vector<512x256xf32> to vector<512x256xbf16>
    %dot_general3A_213 = arith.constant dense<0.000000e+00> : vector<512x512xf32>
    %dot_general3A_214 = tpu.matmul %convert_element_type3A_211, %convert_element_type3A_212, %dot_general3A_213 {dimension_numbers = #tpu.dot_dimension_numbers<[1], [1], [0], [0], [0, 0, 1, 0], [], []>, transpose_lhs_hint = false} : vector<512x256xbf16>, vector<512x256xbf16>, vector<512x512xf32> -> vector<512x512xf32>
    %get3A_215 = arith.constant 0 : index
    %get3A_216 = arith.constant 0 : index
    %get3A_217 = vector.load %arg11[%get3A_215, %get3A_216] : memref<1x512xf32, #tpu.memory_space<vmem>>, vector<1x512xf32>
    %add3A_218 = vector.broadcast %get3A_217 : vector<1x512xf32> to vector<512x512xf32>
    %add3A_219 = arith.addf %dot_general3A_214, %add3A_218 : vector<512x512xf32>
    %add3A_220 = arith.addf %add3A_192, %add3A_219 : vector<512x512xf32>
    %get3A_221 = arith.constant 0 : index
    %get3A_222 = arith.constant 0 : index
    %get3A_223 = vector.load %arg14[%get3A_221, %get3A_222] : memref<1x512xf32, #tpu.memory_space<vmem>>, vector<1x512xf32>
    %get3A_224 = arith.constant 0 : index
    %get3A_225 = arith.constant 0 : index
    %get3A_226 = vector.load %arg15[%get3A_224, %get3A_225] : memref<1x512xf32, #tpu.memory_space<vmem>>, vector<1x512xf32>
    %reduce_sum3A_227 = arith.constant dense<0.000000e+00> : vector<512xf32>
    %reduce_sum3A_228 = vector.multi_reduction <add>, %add3A_220, %reduce_sum3A_227 [1] : vector<512x512xf32> to vector<512xf32>
    %broadcast_in_dim3A_229 = vector.shape_cast %reduce_sum3A_228 : vector<512xf32> to vector<512x1xf32>
    %div3A_230 = arith.constant 5.120000e+02 : f32
    %div3A_231 = vector.broadcast %div3A_230 : f32 to vector<512x1xf32>
    %div3A_232 = arith.divf %broadcast_in_dim3A_229, %div3A_231 : vector<512x1xf32>
    %sub3A_233 = vector.broadcast %div3A_232 : vector<512x1xf32> to vector<512x512xf32>
    %sub3A_234 = arith.subf %add3A_220, %sub3A_233 : vector<512x512xf32>
    %integer_pow3A_235 = arith.mulf %sub3A_234, %sub3A_234 : vector<512x512xf32>
    %reduce_sum3A_236 = arith.constant dense<0.000000e+00> : vector<512xf32>
    %reduce_sum3A_237 = vector.multi_reduction <add>, %integer_pow3A_235, %reduce_sum3A_236 [1] : vector<512x512xf32> to vector<512xf32>
    %broadcast_in_dim3A_238 = vector.shape_cast %reduce_sum3A_237 : vector<512xf32> to vector<512x1xf32>
    %div3A_239 = arith.constant 5.120000e+02 : f32
    %div3A_240 = vector.broadcast %div3A_239 : f32 to vector<512x1xf32>
    %div3A_241 = arith.divf %broadcast_in_dim3A_238, %div3A_240 : vector<512x1xf32>
    %sub3A_242 = vector.broadcast %div3A_232 : vector<512x1xf32> to vector<512x512xf32>
    %sub3A_243 = arith.subf %add3A_220, %sub3A_242 : vector<512x512xf32>
    %add3A_244 = arith.constant 9.99999974E-6 : f32
    %add3A_245 = vector.broadcast %add3A_244 : f32 to vector<512x1xf32>
    %add3A_246 = arith.addf %div3A_241, %add3A_245 : vector<512x1xf32>
    %rsqrt3A_247 = math.rsqrt %add3A_246 : vector<512x1xf32>
    %mul3A_248 = vector.broadcast %rsqrt3A_247 : vector<512x1xf32> to vector<512x512xf32>
    %mul3A_249 = arith.mulf %sub3A_243, %mul3A_248 : vector<512x512xf32>
    %mul3A_250 = vector.broadcast %get3A_223 : vector<1x512xf32> to vector<512x512xf32>
    %mul3A_251 = arith.mulf %mul3A_249, %mul3A_250 : vector<512x512xf32>
    %add3A_252 = vector.broadcast %get3A_226 : vector<1x512xf32> to vector<512x512xf32>
    %add3A_253 = arith.addf %mul3A_251, %add3A_252 : vector<512x512xf32>
    %convert_element_type3A_254 = arith.truncf %add3A_253 : vector<512x512xf32> to vector<512x512xbf16>
    %swap3A = arith.constant 0 : index
    %swap3A_255 = arith.constant 0 : index
    %swap3A_256 = vector.load %arg16[%swap3A, %swap3A_255] : memref<2048x512xbf16, #tpu.memory_space<vmem>>, vector<512x512xbf16>
    tpu.vector_store %arg16[%swap3A, %swap3A_255], %convert_element_type3A_254 {strides = array<i32>} : memref<2048x512xbf16, #tpu.memory_space<vmem>>, vector<512x512xbf16>,
    %get3A_257 = arith.constant 512 : index
    %get3A_258 = arith.constant 0 : index
    %get3A_259 = vector.load %arg1[%get3A_257, %get3A_258] : memref<2048x512xf32, #tpu.memory_space<vmem>>, vector<512x512xf32>
    %reduce_sum3A_260 = arith.constant dense<0.000000e+00> : vector<512xf32>
    %reduce_sum3A_261 = vector.multi_reduction <add>, %get3A_259, %reduce_sum3A_260 [0] : vector<512x512xf32> to vector<512xf32>
    %broadcast_in_dim3A_262 = vector.shape_cast %reduce_sum3A_261 : vector<512xf32> to vector<1x512xf32>
    %div3A_263 = arith.constant 5.120000e+02 : f32
    %div3A_264 = vector.broadcast %div3A_263 : f32 to vector<1x512xf32>
    %div3A_265 = arith.divf %broadcast_in_dim3A_262, %div3A_264 : vector<1x512xf32>
    %get3A_266 = arith.constant 0 : index
    %get3A_267 = arith.constant 0 : index
    %get3A_268 = vector.load %arg2[%get3A_266, %get3A_267] : memref<256x512xf32, #tpu.memory_space<vmem>>, vector<256x512xf32>
    %mul3A_269 = arith.mulf %get3A_268, %get3A_268 : vector<256x512xf32>
    %reduce_sum3A_270 = arith.constant dense<0.000000e+00> : vector<256xf32>
    %reduce_sum3A_271 = vector.multi_reduction <add>, %mul3A_269, %reduce_sum3A_270 [1] : vector<256x512xf32> to vector<256xf32>
    %broadcast_in_dim3A_272 = vector.shape_cast %reduce_sum3A_271 : vector<256xf32> to vector<256x1xf32>
    %max3A_273 = arith.constant 1.000000e-16 : f32
    %max3A_274 = vector.broadcast %max3A_273 : f32 to vector<256x1xf32>
    %max3A_275 = arith.maximumf %broadcast_in_dim3A_272, %max3A_274 : vector<256x1xf32>
    %rsqrt3A_276 = math.rsqrt %max3A_275 : vector<256x1xf32>
    %mul3A_277 = vector.broadcast %rsqrt3A_276 : vector<256x1xf32> to vector<256x512xf32>
    %mul3A_278 = arith.mulf %get3A_268, %mul3A_277 : vector<256x512xf32>
    %mul3A_279 = vector.broadcast %div3A_265 : vector<1x512xf32> to vector<256x512xf32>
    %mul3A_280 = arith.mulf %mul3A_278, %mul3A_279 : vector<256x512xf32>
    %reduce_sum3A_281 = arith.constant dense<0.000000e+00> : vector<256xf32>
    %reduce_sum3A_282 = vector.multi_reduction <add>, %mul3A_280, %reduce_sum3A_281 [1] : vector<256x512xf32> to vector<256xf32>
    %broadcast_in_dim3A_283 = vector.shape_cast %reduce_sum3A_282 : vector<256xf32> to vector<256x1xf32>
    %reduce_max3A_284 = arith.constant dense<0xFF800000> : vector<1xf32>
    %reduce_max3A_285 = vector.multi_reduction <maximumf>, %broadcast_in_dim3A_283, %reduce_max3A_284 [0] : vector<256x1xf32> to vector<1xf32>
    %broadcast_in_dim3A_286 = vector.shape_cast %reduce_max3A_285 : vector<1xf32> to vector<1x1xf32>
    %iota3A_287 = tpu.iota {dimensions = array<i32: 0>} : vector<256x1xi32>
    %ge3A_288 = vector.broadcast %broadcast_in_dim3A_286 : vector<1x1xf32> to vector<256x1xf32>
    %ge3A_289 = arith.cmpf oge, %broadcast_in_dim3A_283, %ge3A_288 : vector<256x1xf32>
    %jit3A_290 = arith.constant 257 : i32
    %broadcast_in_dim3A_291 = vector.broadcast %jit3A_290 : i32 to vector<256x1xi32>
    %select_n3A_292 = arith.select %ge3A_289, %iota3A_287, %broadcast_in_dim3A_291 : vector<256x1xi1>, vector<256x1xi32>
    %reduce_min3A_293 = arith.constant dense<2147483647> : vector<1xi32>
    %reduce_min3A_294 = vector.multi_reduction <minsi>, %select_n3A_292, %reduce_min3A_293 [0] : vector<256x1xi32> to vector<1xi32>
    %broadcast_in_dim3A_295 = vector.shape_cast %reduce_min3A_294 : vector<1xi32> to vector<1x1xi32>
    %eq3A_296 = vector.broadcast %broadcast_in_dim3A_295 : vector<1x1xi32> to vector<256x1xi32>
    %eq3A_297 = arith.cmpi eq, %iota3A_287, %eq3A_296 : vector<256x1xi32>
    %convert_element_type3A_298 = arith.extui %eq3A_297 : vector<256x1xi1> to vector<256x1xi32>
    %convert_element_type3A_299 = arith.sitofp %convert_element_type3A_298 : vector<256x1xi32> to vector<256x1xf32>
    %get3A_300 = arith.constant 0 : index
    %get3A_301 = arith.constant 0 : index
    %get3A_302 = vector.load %arg3[%get3A_300, %get3A_301] : memref<256x512xf32, #tpu.memory_space<vmem>>, vector<256x512xf32>
    %mul3A_303 = vector.broadcast %convert_element_type3A_299 : vector<256x1xf32> to vector<256x512xf32>
    %mul3A_304 = arith.mulf %mul3A_303, %get3A_302 : vector<256x512xf32>
    %reduce_sum3A_305 = arith.constant dense<0.000000e+00> : vector<512xf32>
    %reduce_sum3A_306 = vector.multi_reduction <add>, %mul3A_304, %reduce_sum3A_305 [0] : vector<256x512xf32> to vector<512xf32>
    %broadcast_in_dim3A_307 = vector.shape_cast %reduce_sum3A_306 : vector<512xf32> to vector<1x512xf32>
    %add3A_308 = vector.broadcast %broadcast_in_dim3A_307 : vector<1x512xf32> to vector<512x512xf32>
    %add3A_309 = arith.addf %get3A_259, %add3A_308 : vector<512x512xf32>
    %get3A_310 = arith.constant 0 : index
    %get3A_311 = arith.constant 0 : index
    %get3A_312 = vector.load %arg4[%get3A_310, %get3A_311] : memref<1536x512xf32, #tpu.memory_space<vmem>>, vector<1536x512xf32>
    %convert_element_type3A_313 = arith.truncf %add3A_309 : vector<512x512xf32> to vector<512x512xbf16>
    %convert_element_type3A_314 = arith.truncf %get3A_312 : vector<1536x512xf32> to vector<1536x512xbf16>
    %dot_general3A_315 = arith.constant dense<0.000000e+00> : vector<512x1536xf32>
    %dot_general3A_316 = tpu.matmul %convert_element_type3A_313, %convert_element_type3A_314, %dot_general3A_315 {dimension_numbers = #tpu.dot_dimension_numbers<[1], [1], [0], [0], [0, 0, 1, 0], [], []>, transpose_lhs_hint = false} : vector<512x512xbf16>, vector<1536x512xbf16>, vector<512x1536xf32> -> vector<512x1536xf32>
    %get3A_317 = arith.constant 0 : index
    %get3A_318 = arith.constant 0 : index
    %get3A_319 = vector.load %arg5[%get3A_317, %get3A_318] : memref<1x1536xf32, #tpu.memory_space<vmem>>, vector<1x1536xf32>
    %add3A_320 = vector.broadcast %get3A_319 : vector<1x1536xf32> to vector<512x1536xf32>
    %add3A_321 = arith.addf %dot_general3A_316, %add3A_320 : vector<512x1536xf32>
    %slice3A_322 = vector.extract_strided_slice %add3A_321 {offsets = [0, 0], sizes = [512, 512], strides = [1, 1]} : vector<512x1536xf32> to vector<512x512xf32>
    %slice3A_323 = vector.extract_strided_slice %add3A_321 {offsets = [0, 512], sizes = [512, 512], strides = [1, 1]} : vector<512x1536xf32> to vector<512x512xf32>
    %slice3A_324 = vector.extract_strided_slice %add3A_321 {offsets = [0, 1024], sizes = [512, 512], strides = [1, 1]} : vector<512x1536xf32> to vector<512x512xf32>
    %slice3A_325 = vector.extract_strided_slice %slice3A_322 {offsets = [0, 0], sizes = [512, 128], strides = [1, 1]} : vector<512x512xf32> to vector<512x128xf32>
    %slice3A_326 = vector.extract_strided_slice %slice3A_323 {offsets = [0, 0], sizes = [512, 128], strides = [1, 1]} : vector<512x512xf32> to vector<512x128xf32>
    %slice3A_327 = vector.extract_strided_slice %slice3A_324 {offsets = [0, 0], sizes = [512, 128], strides = [1, 1]} : vector<512x512xf32> to vector<512x128xf32>
    %convert_element_type3A_328 = arith.truncf %slice3A_325 : vector<512x128xf32> to vector<512x128xbf16>
    %convert_element_type3A_329 = arith.truncf %slice3A_326 : vector<512x128xf32> to vector<512x128xbf16>
    %dot_general3A_330 = arith.constant dense<0.000000e+00> : vector<512x512xf32>
    %dot_general3A_331 = tpu.matmul %convert_element_type3A_328, %convert_element_type3A_329, %dot_general3A_330 {dimension_numbers = #tpu.dot_dimension_numbers<[1], [1], [0], [0], [0, 0, 1, 0], [], []>, transpose_lhs_hint = false} : vector<512x128xbf16>, vector<512x128xbf16>, vector<512x512xf32> -> vector<512x512xf32>
    %mul3A_332 = arith.constant 0.0883883461 : f32
    %mul3A_333 = vector.broadcast %mul3A_332 : f32 to vector<512x512xf32>
    %mul3A_334 = arith.mulf %dot_general3A_331, %mul3A_333 : vector<512x512xf32>
    %reduce_max3A_335 = arith.constant dense<0xFF800000> : vector<512xf32>
    %reduce_max3A_336 = vector.multi_reduction <maximumf>, %mul3A_334, %reduce_max3A_335 [1] : vector<512x512xf32> to vector<512xf32>
    %broadcast_in_dim3A_337 = vector.shape_cast %reduce_max3A_336 : vector<512xf32> to vector<512x1xf32>
    %sub3A_338 = vector.broadcast %broadcast_in_dim3A_337 : vector<512x1xf32> to vector<512x512xf32>
    %sub3A_339 = arith.subf %mul3A_334, %sub3A_338 : vector<512x512xf32>
    %exp3A_340 = math.exp %sub3A_339 : vector<512x512xf32>
    %reduce_sum3A_341 = arith.constant dense<0.000000e+00> : vector<512xf32>
    %reduce_sum3A_342 = vector.multi_reduction <add>, %exp3A_340, %reduce_sum3A_341 [1] : vector<512x512xf32> to vector<512xf32>
    %broadcast_in_dim3A_343 = vector.shape_cast %reduce_sum3A_342 : vector<512xf32> to vector<512x1xf32>
    %div3A_344 = vector.broadcast %broadcast_in_dim3A_343 : vector<512x1xf32> to vector<512x512xf32>
    %div3A_345 = arith.divf %exp3A_340, %div3A_344 : vector<512x512xf32>
    %convert_element_type3A_346 = arith.truncf %div3A_345 : vector<512x512xf32> to vector<512x512xbf16>
    %convert_element_type3A_347 = arith.truncf %slice3A_327 : vector<512x128xf32> to vector<512x128xbf16>
    %dot_general3A_348 = arith.constant dense<0.000000e+00> : vector<512x128xf32>
    %dot_general3A_349 = tpu.matmul %convert_element_type3A_346, %convert_element_type3A_347, %dot_general3A_348 {dimension_numbers = #tpu.dot_dimension_numbers<[1], [0], [0], [1], [0, 0, 1, 1], [], []>, transpose_lhs_hint = false} : vector<512x512xbf16>, vector<512x128xbf16>, vector<512x128xf32> -> vector<512x128xf32>
    %slice3A_350 = vector.extract_strided_slice %slice3A_322 {offsets = [0, 128], sizes = [512, 128], strides = [1, 1]} : vector<512x512xf32> to vector<512x128xf32>
    %slice3A_351 = vector.extract_strided_slice %slice3A_323 {offsets = [0, 128], sizes = [512, 128], strides = [1, 1]} : vector<512x512xf32> to vector<512x128xf32>
    %slice3A_352 = vector.extract_strided_slice %slice3A_324 {offsets = [0, 128], sizes = [512, 128], strides = [1, 1]} : vector<512x512xf32> to vector<512x128xf32>
    %convert_element_type3A_353 = arith.truncf %slice3A_350 : vector<512x128xf32> to vector<512x128xbf16>
    %convert_element_type3A_354 = arith.truncf %slice3A_351 : vector<512x128xf32> to vector<512x128xbf16>
    %dot_general3A_355 = arith.constant dense<0.000000e+00> : vector<512x512xf32>
    %dot_general3A_356 = tpu.matmul %convert_element_type3A_353, %convert_element_type3A_354, %dot_general3A_355 {dimension_numbers = #tpu.dot_dimension_numbers<[1], [1], [0], [0], [0, 0, 1, 0], [], []>, transpose_lhs_hint = false} : vector<512x128xbf16>, vector<512x128xbf16>, vector<512x512xf32> -> vector<512x512xf32>
    %mul3A_357 = arith.constant 0.0883883461 : f32
    %mul3A_358 = vector.broadcast %mul3A_357 : f32 to vector<512x512xf32>
    %mul3A_359 = arith.mulf %dot_general3A_356, %mul3A_358 : vector<512x512xf32>
    %reduce_max3A_360 = arith.constant dense<0xFF800000> : vector<512xf32>
    %reduce_max3A_361 = vector.multi_reduction <maximumf>, %mul3A_359, %reduce_max3A_360 [1] : vector<512x512xf32> to vector<512xf32>
    %broadcast_in_dim3A_362 = vector.shape_cast %reduce_max3A_361 : vector<512xf32> to vector<512x1xf32>
    %sub3A_363 = vector.broadcast %broadcast_in_dim3A_362 : vector<512x1xf32> to vector<512x512xf32>
    %sub3A_364 = arith.subf %mul3A_359, %sub3A_363 : vector<512x512xf32>
    %exp3A_365 = math.exp %sub3A_364 : vector<512x512xf32>
    %reduce_sum3A_366 = arith.constant dense<0.000000e+00> : vector<512xf32>
    %reduce_sum3A_367 = vector.multi_reduction <add>, %exp3A_365, %reduce_sum3A_366 [1] : vector<512x512xf32> to vector<512xf32>
    %broadcast_in_dim3A_368 = vector.shape_cast %reduce_sum3A_367 : vector<512xf32> to vector<512x1xf32>
    %div3A_369 = vector.broadcast %broadcast_in_dim3A_368 : vector<512x1xf32> to vector<512x512xf32>
    %div3A_370 = arith.divf %exp3A_365, %div3A_369 : vector<512x512xf32>
    %convert_element_type3A_371 = arith.truncf %div3A_370 : vector<512x512xf32> to vector<512x512xbf16>
    %convert_element_type3A_372 = arith.truncf %slice3A_352 : vector<512x128xf32> to vector<512x128xbf16>
    %dot_general3A_373 = arith.constant dense<0.000000e+00> : vector<512x128xf32>
    %dot_general3A_374 = tpu.matmul %convert_element_type3A_371, %convert_element_type3A_372, %dot_general3A_373 {dimension_numbers = #tpu.dot_dimension_numbers<[1], [0], [0], [1], [0, 0, 1, 1], [], []>, transpose_lhs_hint = false} : vector<512x512xbf16>, vector<512x128xbf16>, vector<512x128xf32> -> vector<512x128xf32>
    %slice3A_375 = vector.extract_strided_slice %slice3A_322 {offsets = [0, 256], sizes = [512, 128], strides = [1, 1]} : vector<512x512xf32> to vector<512x128xf32>
    %slice3A_376 = vector.extract_strided_slice %slice3A_323 {offsets = [0, 256], sizes = [512, 128], strides = [1, 1]} : vector<512x512xf32> to vector<512x128xf32>
    %slice3A_377 = vector.extract_strided_slice %slice3A_324 {offsets = [0, 256], sizes = [512, 128], strides = [1, 1]} : vector<512x512xf32> to vector<512x128xf32>
    %convert_element_type3A_378 = arith.truncf %slice3A_375 : vector<512x128xf32> to vector<512x128xbf16>
    %convert_element_type3A_379 = arith.truncf %slice3A_376 : vector<512x128xf32> to vector<512x128xbf16>
    %dot_general3A_380 = arith.constant dense<0.000000e+00> : vector<512x512xf32>
    %dot_general3A_381 = tpu.matmul %convert_element_type3A_378, %convert_element_type3A_379, %dot_general3A_380 {dimension_numbers = #tpu.dot_dimension_numbers<[1], [1], [0], [0], [0, 0, 1, 0], [], []>, transpose_lhs_hint = false} : vector<512x128xbf16>, vector<512x128xbf16>, vector<512x512xf32> -> vector<512x512xf32>
    %mul3A_382 = arith.constant 0.0883883461 : f32
    %mul3A_383 = vector.broadcast %mul3A_382 : f32 to vector<512x512xf32>
    %mul3A_384 = arith.mulf %dot_general3A_381, %mul3A_383 : vector<512x512xf32>
    %reduce_max3A_385 = arith.constant dense<0xFF800000> : vector<512xf32>
    %reduce_max3A_386 = vector.multi_reduction <maximumf>, %mul3A_384, %reduce_max3A_385 [1] : vector<512x512xf32> to vector<512xf32>
    %broadcast_in_dim3A_387 = vector.shape_cast %reduce_max3A_386 : vector<512xf32> to vector<512x1xf32>
    %sub3A_388 = vector.broadcast %broadcast_in_dim3A_387 : vector<512x1xf32> to vector<512x512xf32>
    %sub3A_389 = arith.subf %mul3A_384, %sub3A_388 : vector<512x512xf32>
    %exp3A_390 = math.exp %sub3A_389 : vector<512x512xf32>
    %reduce_sum3A_391 = arith.constant dense<0.000000e+00> : vector<512xf32>
    %reduce_sum3A_392 = vector.multi_reduction <add>, %exp3A_390, %reduce_sum3A_391 [1] : vector<512x512xf32> to vector<512xf32>
    %broadcast_in_dim3A_393 = vector.shape_cast %reduce_sum3A_392 : vector<512xf32> to vector<512x1xf32>
    %div3A_394 = vector.broadcast %broadcast_in_dim3A_393 : vector<512x1xf32> to vector<512x512xf32>
    %div3A_395 = arith.divf %exp3A_390, %div3A_394 : vector<512x512xf32>
    %convert_element_type3A_396 = arith.truncf %div3A_395 : vector<512x512xf32> to vector<512x512xbf16>
    %convert_element_type3A_397 = arith.truncf %slice3A_377 : vector<512x128xf32> to vector<512x128xbf16>
    %dot_general3A_398 = arith.constant dense<0.000000e+00> : vector<512x128xf32>
    %dot_general3A_399 = tpu.matmul %convert_element_type3A_396, %convert_element_type3A_397, %dot_general3A_398 {dimension_numbers = #tpu.dot_dimension_numbers<[1], [0], [0], [1], [0, 0, 1, 1], [], []>, transpose_lhs_hint = false} : vector<512x512xbf16>, vector<512x128xbf16>, vector<512x128xf32> -> vector<512x128xf32>
    %slice3A_400 = vector.extract_strided_slice %slice3A_322 {offsets = [0, 384], sizes = [512, 128], strides = [1, 1]} : vector<512x512xf32> to vector<512x128xf32>
    %slice3A_401 = vector.extract_strided_slice %slice3A_323 {offsets = [0, 384], sizes = [512, 128], strides = [1, 1]} : vector<512x512xf32> to vector<512x128xf32>
    %slice3A_402 = vector.extract_strided_slice %slice3A_324 {offsets = [0, 384], sizes = [512, 128], strides = [1, 1]} : vector<512x512xf32> to vector<512x128xf32>
    %convert_element_type3A_403 = arith.truncf %slice3A_400 : vector<512x128xf32> to vector<512x128xbf16>
    %convert_element_type3A_404 = arith.truncf %slice3A_401 : vector<512x128xf32> to vector<512x128xbf16>
    %dot_general3A_405 = arith.constant dense<0.000000e+00> : vector<512x512xf32>
    %dot_general3A_406 = tpu.matmul %convert_element_type3A_403, %convert_element_type3A_404, %dot_general3A_405 {dimension_numbers = #tpu.dot_dimension_numbers<[1], [1], [0], [0], [0, 0, 1, 0], [], []>, transpose_lhs_hint = false} : vector<512x128xbf16>, vector<512x128xbf16>, vector<512x512xf32> -> vector<512x512xf32>
    %mul3A_407 = arith.constant 0.0883883461 : f32
    %mul3A_408 = vector.broadcast %mul3A_407 : f32 to vector<512x512xf32>
    %mul3A_409 = arith.mulf %dot_general3A_406, %mul3A_408 : vector<512x512xf32>
    %reduce_max3A_410 = arith.constant dense<0xFF800000> : vector<512xf32>
    %reduce_max3A_411 = vector.multi_reduction <maximumf>, %mul3A_409, %reduce_max3A_410 [1] : vector<512x512xf32> to vector<512xf32>
    %broadcast_in_dim3A_412 = vector.shape_cast %reduce_max3A_411 : vector<512xf32> to vector<512x1xf32>
    %sub3A_413 = vector.broadcast %broadcast_in_dim3A_412 : vector<512x1xf32> to vector<512x512xf32>
    %sub3A_414 = arith.subf %mul3A_409, %sub3A_413 : vector<512x512xf32>
    %exp3A_415 = math.exp %sub3A_414 : vector<512x512xf32>
    %reduce_sum3A_416 = arith.constant dense<0.000000e+00> : vector<512xf32>
    %reduce_sum3A_417 = vector.multi_reduction <add>, %exp3A_415, %reduce_sum3A_416 [1] : vector<512x512xf32> to vector<512xf32>
    %broadcast_in_dim3A_418 = vector.shape_cast %reduce_sum3A_417 : vector<512xf32> to vector<512x1xf32>
    %div3A_419 = vector.broadcast %broadcast_in_dim3A_418 : vector<512x1xf32> to vector<512x512xf32>
    %div3A_420 = arith.divf %exp3A_415, %div3A_419 : vector<512x512xf32>
    %convert_element_type3A_421 = arith.truncf %div3A_420 : vector<512x512xf32> to vector<512x512xbf16>
    %convert_element_type3A_422 = arith.truncf %slice3A_402 : vector<512x128xf32> to vector<512x128xbf16>
    %dot_general3A_423 = arith.constant dense<0.000000e+00> : vector<512x128xf32>
    %dot_general3A_424 = tpu.matmul %convert_element_type3A_421, %convert_element_type3A_422, %dot_general3A_423 {dimension_numbers = #tpu.dot_dimension_numbers<[1], [0], [0], [1], [0, 0, 1, 1], [], []>, transpose_lhs_hint = false} : vector<512x512xbf16>, vector<512x128xbf16>, vector<512x128xf32> -> vector<512x128xf32>
    %concatenate3A_425 = tpu.concatenate %dot_general3A_349, %dot_general3A_374, %dot_general3A_399, %dot_general3A_424 in 1 : vector<512x128xf32>, vector<512x128xf32>, vector<512x128xf32>, vector<512x128xf32> -> vector<512x512xf32>
    %get3A_426 = arith.constant 0 : index
    %get3A_427 = arith.constant 0 : index
    %get3A_428 = vector.load %arg6[%get3A_426, %get3A_427] : memref<512x512xf32, #tpu.memory_space<vmem>>, vector<512x512xf32>
    %convert_element_type3A_429 = arith.truncf %concatenate3A_425 : vector<512x512xf32> to vector<512x512xbf16>
    %convert_element_type3A_430 = arith.truncf %get3A_428 : vector<512x512xf32> to vector<512x512xbf16>
    %dot_general3A_431 = arith.constant dense<0.000000e+00> : vector<512x512xf32>
    %dot_general3A_432 = tpu.matmul %convert_element_type3A_429, %convert_element_type3A_430, %dot_general3A_431 {dimension_numbers = #tpu.dot_dimension_numbers<[1], [1], [0], [0], [0, 0, 1, 0], [], []>, transpose_lhs_hint = false} : vector<512x512xbf16>, vector<512x512xbf16>, vector<512x512xf32> -> vector<512x512xf32>
    %get3A_433 = arith.constant 0 : index
    %get3A_434 = arith.constant 0 : index
    %get3A_435 = vector.load %arg7[%get3A_433, %get3A_434] : memref<1x512xf32, #tpu.memory_space<vmem>>, vector<1x512xf32>
    %add3A_436 = vector.broadcast %get3A_435 : vector<1x512xf32> to vector<512x512xf32>
    %add3A_437 = arith.addf %dot_general3A_432, %add3A_436 : vector<512x512xf32>
    %add3A_438 = arith.addf %add3A_309, %add3A_437 : vector<512x512xf32>
    %get3A_439 = arith.constant 0 : index
    %get3A_440 = arith.constant 0 : index
    %get3A_441 = vector.load %arg12[%get3A_439, %get3A_440] : memref<1x512xf32, #tpu.memory_space<vmem>>, vector<1x512xf32>
    %get3A_442 = arith.constant 0 : index
    %get3A_443 = arith.constant 0 : index
    %get3A_444 = vector.load %arg13[%get3A_442, %get3A_443] : memref<1x512xf32, #tpu.memory_space<vmem>>, vector<1x512xf32>
    %reduce_sum3A_445 = arith.constant dense<0.000000e+00> : vector<512xf32>
    %reduce_sum3A_446 = vector.multi_reduction <add>, %add3A_438, %reduce_sum3A_445 [1] : vector<512x512xf32> to vector<512xf32>
    %broadcast_in_dim3A_447 = vector.shape_cast %reduce_sum3A_446 : vector<512xf32> to vector<512x1xf32>
    %div3A_448 = arith.constant 5.120000e+02 : f32
    %div3A_449 = vector.broadcast %div3A_448 : f32 to vector<512x1xf32>
    %div3A_450 = arith.divf %broadcast_in_dim3A_447, %div3A_449 : vector<512x1xf32>
    %sub3A_451 = vector.broadcast %div3A_450 : vector<512x1xf32> to vector<512x512xf32>
    %sub3A_452 = arith.subf %add3A_438, %sub3A_451 : vector<512x512xf32>
    %integer_pow3A_453 = arith.mulf %sub3A_452, %sub3A_452 : vector<512x512xf32>
    %reduce_sum3A_454 = arith.constant dense<0.000000e+00> : vector<512xf32>
    %reduce_sum3A_455 = vector.multi_reduction <add>, %integer_pow3A_453, %reduce_sum3A_454 [1] : vector<512x512xf32> to vector<512xf32>
    %broadcast_in_dim3A_456 = vector.shape_cast %reduce_sum3A_455 : vector<512xf32> to vector<512x1xf32>
    %div3A_457 = arith.constant 5.120000e+02 : f32
    %div3A_458 = vector.broadcast %div3A_457 : f32 to vector<512x1xf32>
    %div3A_459 = arith.divf %broadcast_in_dim3A_456, %div3A_458 : vector<512x1xf32>
    %sub3A_460 = vector.broadcast %div3A_450 : vector<512x1xf32> to vector<512x512xf32>
    %sub3A_461 = arith.subf %add3A_438, %sub3A_460 : vector<512x512xf32>
    %add3A_462 = arith.constant 9.99999974E-6 : f32
    %add3A_463 = vector.broadcast %add3A_462 : f32 to vector<512x1xf32>
    %add3A_464 = arith.addf %div3A_459, %add3A_463 : vector<512x1xf32>
    %rsqrt3A_465 = math.rsqrt %add3A_464 : vector<512x1xf32>
    %mul3A_466 = vector.broadcast %rsqrt3A_465 : vector<512x1xf32> to vector<512x512xf32>
    %mul3A_467 = arith.mulf %sub3A_461, %mul3A_466 : vector<512x512xf32>
    %mul3A_468 = vector.broadcast %get3A_441 : vector<1x512xf32> to vector<512x512xf32>
    %mul3A_469 = arith.mulf %mul3A_467, %mul3A_468 : vector<512x512xf32>
    %add3A_470 = vector.broadcast %get3A_444 : vector<1x512xf32> to vector<512x512xf32>
    %add3A_471 = arith.addf %mul3A_469, %add3A_470 : vector<512x512xf32>
    %get3A_472 = arith.constant 0 : index
    %get3A_473 = arith.constant 0 : index
    %get3A_474 = vector.load %arg8[%get3A_472, %get3A_473] : memref<256x512xf32, #tpu.memory_space<vmem>>, vector<256x512xf32>
    %convert_element_type3A_475 = arith.truncf %add3A_471 : vector<512x512xf32> to vector<512x512xbf16>
    %convert_element_type3A_476 = arith.truncf %get3A_474 : vector<256x512xf32> to vector<256x512xbf16>
    %dot_general3A_477 = arith.constant dense<0.000000e+00> : vector<512x256xf32>
    %dot_general3A_478 = tpu.matmul %convert_element_type3A_475, %convert_element_type3A_476, %dot_general3A_477 {dimension_numbers = #tpu.dot_dimension_numbers<[1], [1], [0], [0], [0, 0, 1, 0], [], []>, transpose_lhs_hint = false} : vector<512x512xbf16>, vector<256x512xbf16>, vector<512x256xf32> -> vector<512x256xf32>
    %get3A_479 = arith.constant 0 : index
    %get3A_480 = arith.constant 0 : index
    %get3A_481 = vector.load %arg9[%get3A_479, %get3A_480] : memref<1x256xf32, #tpu.memory_space<vmem>>, vector<1x256xf32>
    %add3A_482 = vector.broadcast %get3A_481 : vector<1x256xf32> to vector<512x256xf32>
    %add3A_483 = arith.addf %dot_general3A_478, %add3A_482 : vector<512x256xf32>
    %max3A_484 = arith.constant 0.000000e+00 : f32
    %max3A_485 = vector.broadcast %max3A_484 : f32 to vector<512x256xf32>
    %max3A_486 = arith.maximumf %add3A_483, %max3A_485 : vector<512x256xf32>
    %get3A_487 = arith.constant 0 : index
    %get3A_488 = arith.constant 0 : index
    %get3A_489 = vector.load %arg10[%get3A_487, %get3A_488] : memref<512x256xf32, #tpu.memory_space<vmem>>, vector<512x256xf32>
    %convert_element_type3A_490 = arith.truncf %max3A_486 : vector<512x256xf32> to vector<512x256xbf16>
    %convert_element_type3A_491 = arith.truncf %get3A_489 : vector<512x256xf32> to vector<512x256xbf16>
    %dot_general3A_492 = arith.constant dense<0.000000e+00> : vector<512x512xf32>
    %dot_general3A_493 = tpu.matmul %convert_element_type3A_490, %convert_element_type3A_491, %dot_general3A_492 {dimension_numbers = #tpu.dot_dimension_numbers<[1], [1], [0], [0], [0, 0, 1, 0], [], []>, transpose_lhs_hint = false} : vector<512x256xbf16>, vector<512x256xbf16>, vector<512x512xf32> -> vector<512x512xf32>
    %get3A_494 = arith.constant 0 : index
    %get3A_495 = arith.constant 0 : index
    %get3A_496 = vector.load %arg11[%get3A_494, %get3A_495] : memref<1x512xf32, #tpu.memory_space<vmem>>, vector<1x512xf32>
    %add3A_497 = vector.broadcast %get3A_496 : vector<1x512xf32> to vector<512x512xf32>
    %add3A_498 = arith.addf %dot_general3A_493, %add3A_497 : vector<512x512xf32>
    %add3A_499 = arith.addf %add3A_471, %add3A_498 : vector<512x512xf32>
    %get3A_500 = arith.constant 0 : index
    %get3A_501 = arith.constant 0 : index
    %get3A_502 = vector.load %arg14[%get3A_500, %get3A_501] : memref<1x512xf32, #tpu.memory_space<vmem>>, vector<1x512xf32>
    %get3A_503 = arith.constant 0 : index
    %get3A_504 = arith.constant 0 : index
    %get3A_505 = vector.load %arg15[%get3A_503, %get3A_504] : memref<1x512xf32, #tpu.memory_space<vmem>>, vector<1x512xf32>
    %reduce_sum3A_506 = arith.constant dense<0.000000e+00> : vector<512xf32>
    %reduce_sum3A_507 = vector.multi_reduction <add>, %add3A_499, %reduce_sum3A_506 [1] : vector<512x512xf32> to vector<512xf32>
    %broadcast_in_dim3A_508 = vector.shape_cast %reduce_sum3A_507 : vector<512xf32> to vector<512x1xf32>
    %div3A_509 = arith.constant 5.120000e+02 : f32
    %div3A_510 = vector.broadcast %div3A_509 : f32 to vector<512x1xf32>
    %div3A_511 = arith.divf %broadcast_in_dim3A_508, %div3A_510 : vector<512x1xf32>
    %sub3A_512 = vector.broadcast %div3A_511 : vector<512x1xf32> to vector<512x512xf32>
    %sub3A_513 = arith.subf %add3A_499, %sub3A_512 : vector<512x512xf32>
    %integer_pow3A_514 = arith.mulf %sub3A_513, %sub3A_513 : vector<512x512xf32>
    %reduce_sum3A_515 = arith.constant dense<0.000000e+00> : vector<512xf32>
    %reduce_sum3A_516 = vector.multi_reduction <add>, %integer_pow3A_514, %reduce_sum3A_515 [1] : vector<512x512xf32> to vector<512xf32>
    %broadcast_in_dim3A_517 = vector.shape_cast %reduce_sum3A_516 : vector<512xf32> to vector<512x1xf32>
    %div3A_518 = arith.constant 5.120000e+02 : f32
    %div3A_519 = vector.broadcast %div3A_518 : f32 to vector<512x1xf32>
    %div3A_520 = arith.divf %broadcast_in_dim3A_517, %div3A_519 : vector<512x1xf32>
    %sub3A_521 = vector.broadcast %div3A_511 : vector<512x1xf32> to vector<512x512xf32>
    %sub3A_522 = arith.subf %add3A_499, %sub3A_521 : vector<512x512xf32>
    %add3A_523 = arith.constant 9.99999974E-6 : f32
    %add3A_524 = vector.broadcast %add3A_523 : f32 to vector<512x1xf32>
    %add3A_525 = arith.addf %div3A_520, %add3A_524 : vector<512x1xf32>
    %rsqrt3A_526 = math.rsqrt %add3A_525 : vector<512x1xf32>
    %mul3A_527 = vector.broadcast %rsqrt3A_526 : vector<512x1xf32> to vector<512x512xf32>
    %mul3A_528 = arith.mulf %sub3A_522, %mul3A_527 : vector<512x512xf32>
    %mul3A_529 = vector.broadcast %get3A_502 : vector<1x512xf32> to vector<512x512xf32>
    %mul3A_530 = arith.mulf %mul3A_528, %mul3A_529 : vector<512x512xf32>
    %add3A_531 = vector.broadcast %get3A_505 : vector<1x512xf32> to vector<512x512xf32>
    %add3A_532 = arith.addf %mul3A_530, %add3A_531 : vector<512x512xf32>
    %convert_element_type3A_533 = arith.truncf %add3A_532 : vector<512x512xf32> to vector<512x512xbf16>
    %swap3A_534 = arith.constant 512 : index
    %swap3A_535 = arith.constant 0 : index
    %swap3A_536 = vector.load %arg16[%swap3A_534, %swap3A_535] : memref<2048x512xbf16, #tpu.memory_space<vmem>>, vector<512x512xbf16>
    tpu.vector_store %arg16[%swap3A_534, %swap3A_535], %convert_element_type3A_533 {strides = array<i32>} : memref<2048x512xbf16, #tpu.memory_space<vmem>>, vector<512x512xbf16>,
    %get3A_537 = arith.constant 1024 : index
    %get3A_538 = arith.constant 0 : index
    %get3A_539 = vector.load %arg1[%get3A_537, %get3A_538] : memref<2048x512xf32, #tpu.memory_space<vmem>>, vector<512x512xf32>
    %reduce_sum3A_540 = arith.constant dense<0.000000e+00> : vector<512xf32>
    %reduce_sum3A_541 = vector.multi_reduction <add>, %get3A_539, %reduce_sum3A_540 [0] : vector<512x512xf32> to vector<512xf32>
    %broadcast_in_dim3A_542 = vector.shape_cast %reduce_sum3A_541 : vector<512xf32> to vector<1x512xf32>
    %div3A_543 = arith.constant 5.120000e+02 : f32
    %div3A_544 = vector.broadcast %div3A_543 : f32 to vector<1x512xf32>
    %div3A_545 = arith.divf %broadcast_in_dim3A_542, %div3A_544 : vector<1x512xf32>
    %get3A_546 = arith.constant 0 : index
    %get3A_547 = arith.constant 0 : index
    %get3A_548 = vector.load %arg2[%get3A_546, %get3A_547] : memref<256x512xf32, #tpu.memory_space<vmem>>, vector<256x512xf32>
    %mul3A_549 = arith.mulf %get3A_548, %get3A_548 : vector<256x512xf32>
    %reduce_sum3A_550 = arith.constant dense<0.000000e+00> : vector<256xf32>
    %reduce_sum3A_551 = vector.multi_reduction <add>, %mul3A_549, %reduce_sum3A_550 [1] : vector<256x512xf32> to vector<256xf32>
    %broadcast_in_dim3A_552 = vector.shape_cast %reduce_sum3A_551 : vector<256xf32> to vector<256x1xf32>
    %max3A_553 = arith.constant 1.000000e-16 : f32
    %max3A_554 = vector.broadcast %max3A_553 : f32 to vector<256x1xf32>
    %max3A_555 = arith.maximumf %broadcast_in_dim3A_552, %max3A_554 : vector<256x1xf32>
    %rsqrt3A_556 = math.rsqrt %max3A_555 : vector<256x1xf32>
    %mul3A_557 = vector.broadcast %rsqrt3A_556 : vector<256x1xf32> to vector<256x512xf32>
    %mul3A_558 = arith.mulf %get3A_548, %mul3A_557 : vector<256x512xf32>
    %mul3A_559 = vector.broadcast %div3A_545 : vector<1x512xf32> to vector<256x512xf32>
    %mul3A_560 = arith.mulf %mul3A_558, %mul3A_559 : vector<256x512xf32>
    %reduce_sum3A_561 = arith.constant dense<0.000000e+00> : vector<256xf32>
    %reduce_sum3A_562 = vector.multi_reduction <add>, %mul3A_560, %reduce_sum3A_561 [1] : vector<256x512xf32> to vector<256xf32>
    %broadcast_in_dim3A_563 = vector.shape_cast %reduce_sum3A_562 : vector<256xf32> to vector<256x1xf32>
    %reduce_max3A_564 = arith.constant dense<0xFF800000> : vector<1xf32>
    %reduce_max3A_565 = vector.multi_reduction <maximumf>, %broadcast_in_dim3A_563, %reduce_max3A_564 [0] : vector<256x1xf32> to vector<1xf32>
    %broadcast_in_dim3A_566 = vector.shape_cast %reduce_max3A_565 : vector<1xf32> to vector<1x1xf32>
    %iota3A_567 = tpu.iota {dimensions = array<i32: 0>} : vector<256x1xi32>
    %ge3A_568 = vector.broadcast %broadcast_in_dim3A_566 : vector<1x1xf32> to vector<256x1xf32>
    %ge3A_569 = arith.cmpf oge, %broadcast_in_dim3A_563, %ge3A_568 : vector<256x1xf32>
    %jit3A_570 = arith.constant 257 : i32
    %broadcast_in_dim3A_571 = vector.broadcast %jit3A_570 : i32 to vector<256x1xi32>
    %select_n3A_572 = arith.select %ge3A_569, %iota3A_567, %broadcast_in_dim3A_571 : vector<256x1xi1>, vector<256x1xi32>
    %reduce_min3A_573 = arith.constant dense<2147483647> : vector<1xi32>
    %reduce_min3A_574 = vector.multi_reduction <minsi>, %select_n3A_572, %reduce_min3A_573 [0] : vector<256x1xi32> to vector<1xi32>
    %broadcast_in_dim3A_575 = vector.shape_cast %reduce_min3A_574 : vector<1xi32> to vector<1x1xi32>
    %eq3A_576 = vector.broadcast %broadcast_in_dim3A_575 : vector<1x1xi32> to vector<256x1xi32>
    %eq3A_577 = arith.cmpi eq, %iota3A_567, %eq3A_576 : vector<256x1xi32>
    %convert_element_type3A_578 = arith.extui %eq3A_577 : vector<256x1xi1> to vector<256x1xi32>
    %convert_element_type3A_579 = arith.sitofp %convert_element_type3A_578 : vector<256x1xi32> to vector<256x1xf32>
    %get3A_580 = arith.constant 0 : index
    %get3A_581 = arith.constant 0 : index
    %get3A_582 = vector.load %arg3[%get3A_580, %get3A_581] : memref<256x512xf32, #tpu.memory_space<vmem>>, vector<256x512xf32>
    %mul3A_583 = vector.broadcast %convert_element_type3A_579 : vector<256x1xf32> to vector<256x512xf32>
    %mul3A_584 = arith.mulf %mul3A_583, %get3A_582 : vector<256x512xf32>
    %reduce_sum3A_585 = arith.constant dense<0.000000e+00> : vector<512xf32>
    %reduce_sum3A_586 = vector.multi_reduction <add>, %mul3A_584, %reduce_sum3A_585 [0] : vector<256x512xf32> to vector<512xf32>
    %broadcast_in_dim3A_587 = vector.shape_cast %reduce_sum3A_586 : vector<512xf32> to vector<1x512xf32>
    %add3A_588 = vector.broadcast %broadcast_in_dim3A_587 : vector<1x512xf32> to vector<512x512xf32>
    %add3A_589 = arith.addf %get3A_539, %add3A_588 : vector<512x512xf32>
    %get3A_590 = arith.constant 0 : index
    %get3A_591 = arith.constant 0 : index
    %get3A_592 = vector.load %arg4[%get3A_590, %get3A_591] : memref<1536x512xf32, #tpu.memory_space<vmem>>, vector<1536x512xf32>
    %convert_element_type3A_593 = arith.truncf %add3A_589 : vector<512x512xf32> to vector<512x512xbf16>
    %convert_element_type3A_594 = arith.truncf %get3A_592 : vector<1536x512xf32> to vector<1536x512xbf16>
    %dot_general3A_595 = arith.constant dense<0.000000e+00> : vector<512x1536xf32>
    %dot_general3A_596 = tpu.matmul %convert_element_type3A_593, %convert_element_type3A_594, %dot_general3A_595 {dimension_numbers = #tpu.dot_dimension_numbers<[1], [1], [0], [0], [0, 0, 1, 0], [], []>, transpose_lhs_hint = false} : vector<512x512xbf16>, vector<1536x512xbf16>, vector<512x1536xf32> -> vector<512x1536xf32>
    %get3A_597 = arith.constant 0 : index
    %get3A_598 = arith.constant 0 : index
    %get3A_599 = vector.load %arg5[%get3A_597, %get3A_598] : memref<1x1536xf32, #tpu.memory_space<vmem>>, vector<1x1536xf32>
    %add3A_600 = vector.broadcast %get3A_599 : vector<1x1536xf32> to vector<512x1536xf32>
    %add3A_601 = arith.addf %dot_general3A_596, %add3A_600 : vector<512x1536xf32>
    %slice3A_602 = vector.extract_strided_slice %add3A_601 {offsets = [0, 0], sizes = [512, 512], strides = [1, 1]} : vector<512x1536xf32> to vector<512x512xf32>
    %slice3A_603 = vector.extract_strided_slice %add3A_601 {offsets = [0, 512], sizes = [512, 512], strides = [1, 1]} : vector<512x1536xf32> to vector<512x512xf32>
    %slice3A_604 = vector.extract_strided_slice %add3A_601 {offsets = [0, 1024], sizes = [512, 512], strides = [1, 1]} : vector<512x1536xf32> to vector<512x512xf32>
    %slice3A_605 = vector.extract_strided_slice %slice3A_602 {offsets = [0, 0], sizes = [512, 128], strides = [1, 1]} : vector<512x512xf32> to vector<512x128xf32>
    %slice3A_606 = vector.extract_strided_slice %slice3A_603 {offsets = [0, 0], sizes = [512, 128], strides = [1, 1]} : vector<512x512xf32> to vector<512x128xf32>
    %slice3A_607 = vector.extract_strided_slice %slice3A_604 {offsets = [0, 0], sizes = [512, 128], strides = [1, 1]} : vector<512x512xf32> to vector<512x128xf32>
    %convert_element_type3A_608 = arith.truncf %slice3A_605 : vector<512x128xf32> to vector<512x128xbf16>
    %convert_element_type3A_609 = arith.truncf %slice3A_606 : vector<512x128xf32> to vector<512x128xbf16>
    %dot_general3A_610 = arith.constant dense<0.000000e+00> : vector<512x512xf32>
    %dot_general3A_611 = tpu.matmul %convert_element_type3A_608, %convert_element_type3A_609, %dot_general3A_610 {dimension_numbers = #tpu.dot_dimension_numbers<[1], [1], [0], [0], [0, 0, 1, 0], [], []>, transpose_lhs_hint = false} : vector<512x128xbf16>, vector<512x128xbf16>, vector<512x512xf32> -> vector<512x512xf32>
    %mul3A_612 = arith.constant 0.0883883461 : f32
    %mul3A_613 = vector.broadcast %mul3A_612 : f32 to vector<512x512xf32>
    %mul3A_614 = arith.mulf %dot_general3A_611, %mul3A_613 : vector<512x512xf32>
    %reduce_max3A_615 = arith.constant dense<0xFF800000> : vector<512xf32>
    %reduce_max3A_616 = vector.multi_reduction <maximumf>, %mul3A_614, %reduce_max3A_615 [1] : vector<512x512xf32> to vector<512xf32>
    %broadcast_in_dim3A_617 = vector.shape_cast %reduce_max3A_616 : vector<512xf32> to vector<512x1xf32>
    %sub3A_618 = vector.broadcast %broadcast_in_dim3A_617 : vector<512x1xf32> to vector<512x512xf32>
    %sub3A_619 = arith.subf %mul3A_614, %sub3A_618 : vector<512x512xf32>
    %exp3A_620 = math.exp %sub3A_619 : vector<512x512xf32>
    %reduce_sum3A_621 = arith.constant dense<0.000000e+00> : vector<512xf32>
    %reduce_sum3A_622 = vector.multi_reduction <add>, %exp3A_620, %reduce_sum3A_621 [1] : vector<512x512xf32> to vector<512xf32>
    %broadcast_in_dim3A_623 = vector.shape_cast %reduce_sum3A_622 : vector<512xf32> to vector<512x1xf32>
    %div3A_624 = vector.broadcast %broadcast_in_dim3A_623 : vector<512x1xf32> to vector<512x512xf32>
    %div3A_625 = arith.divf %exp3A_620, %div3A_624 : vector<512x512xf32>
    %convert_element_type3A_626 = arith.truncf %div3A_625 : vector<512x512xf32> to vector<512x512xbf16>
    %convert_element_type3A_627 = arith.truncf %slice3A_607 : vector<512x128xf32> to vector<512x128xbf16>
    %dot_general3A_628 = arith.constant dense<0.000000e+00> : vector<512x128xf32>
    %dot_general3A_629 = tpu.matmul %convert_element_type3A_626, %convert_element_type3A_627, %dot_general3A_628 {dimension_numbers = #tpu.dot_dimension_numbers<[1], [0], [0], [1], [0, 0, 1, 1], [], []>, transpose_lhs_hint = false} : vector<512x512xbf16>, vector<512x128xbf16>, vector<512x128xf32> -> vector<512x128xf32>
    %slice3A_630 = vector.extract_strided_slice %slice3A_602 {offsets = [0, 128], sizes = [512, 128], strides = [1, 1]} : vector<512x512xf32> to vector<512x128xf32>
    %slice3A_631 = vector.extract_strided_slice %slice3A_603 {offsets = [0, 128], sizes = [512, 128], strides = [1, 1]} : vector<512x512xf32> to vector<512x128xf32>
    %slice3A_632 = vector.extract_strided_slice %slice3A_604 {offsets = [0, 128], sizes = [512, 128], strides = [1, 1]} : vector<512x512xf32> to vector<512x128xf32>
    %convert_element_type3A_633 = arith.truncf %slice3A_630 : vector<512x128xf32> to vector<512x128xbf16>
    %convert_element_type3A_634 = arith.truncf %slice3A_631 : vector<512x128xf32> to vector<512x128xbf16>
    %dot_general3A_635 = arith.constant dense<0.000000e+00> : vector<512x512xf32>
    %dot_general3A_636 = tpu.matmul %convert_element_type3A_633, %convert_element_type3A_634, %dot_general3A_635 {dimension_numbers = #tpu.dot_dimension_numbers<[1], [1], [0], [0], [0, 0, 1, 0], [], []>, transpose_lhs_hint = false} : vector<512x128xbf16>, vector<512x128xbf16>, vector<512x512xf32> -> vector<512x512xf32>
    %mul3A_637 = arith.constant 0.0883883461 : f32
    %mul3A_638 = vector.broadcast %mul3A_637 : f32 to vector<512x512xf32>
    %mul3A_639 = arith.mulf %dot_general3A_636, %mul3A_638 : vector<512x512xf32>
    %reduce_max3A_640 = arith.constant dense<0xFF800000> : vector<512xf32>
    %reduce_max3A_641 = vector.multi_reduction <maximumf>, %mul3A_639, %reduce_max3A_640 [1] : vector<512x512xf32> to vector<512xf32>
    %broadcast_in_dim3A_642 = vector.shape_cast %reduce_max3A_641 : vector<512xf32> to vector<512x1xf32>
    %sub3A_643 = vector.broadcast %broadcast_in_dim3A_642 : vector<512x1xf32> to vector<512x512xf32>
    %sub3A_644 = arith.subf %mul3A_639, %sub3A_643 : vector<512x512xf32>
    %exp3A_645 = math.exp %sub3A_644 : vector<512x512xf32>
    %reduce_sum3A_646 = arith.constant dense<0.000000e+00> : vector<512xf32>
    %reduce_sum3A_647 = vector.multi_reduction <add>, %exp3A_645, %reduce_sum3A_646 [1] : vector<512x512xf32> to vector<512xf32>
    %broadcast_in_dim3A_648 = vector.shape_cast %reduce_sum3A_647 : vector<512xf32> to vector<512x1xf32>
    %div3A_649 = vector.broadcast %broadcast_in_dim3A_648 : vector<512x1xf32> to vector<512x512xf32>
    %div3A_650 = arith.divf %exp3A_645, %div3A_649 : vector<512x512xf32>
    %convert_element_type3A_651 = arith.truncf %div3A_650 : vector<512x512xf32> to vector<512x512xbf16>
    %convert_element_type3A_652 = arith.truncf %slice3A_632 : vector<512x128xf32> to vector<512x128xbf16>
    %dot_general3A_653 = arith.constant dense<0.000000e+00> : vector<512x128xf32>
    %dot_general3A_654 = tpu.matmul %convert_element_type3A_651, %convert_element_type3A_652, %dot_general3A_653 {dimension_numbers = #tpu.dot_dimension_numbers<[1], [0], [0], [1], [0, 0, 1, 1], [], []>, transpose_lhs_hint = false} : vector<512x512xbf16>, vector<512x128xbf16>, vector<512x128xf32> -> vector<512x128xf32>
    %slice3A_655 = vector.extract_strided_slice %slice3A_602 {offsets = [0, 256], sizes = [512, 128], strides = [1, 1]} : vector<512x512xf32> to vector<512x128xf32>
    %slice3A_656 = vector.extract_strided_slice %slice3A_603 {offsets = [0, 256], sizes = [512, 128], strides = [1, 1]} : vector<512x512xf32> to vector<512x128xf32>
    %slice3A_657 = vector.extract_strided_slice %slice3A_604 {offsets = [0, 256], sizes = [512, 128], strides = [1, 1]} : vector<512x512xf32> to vector<512x128xf32>
    %convert_element_type3A_658 = arith.truncf %slice3A_655 : vector<512x128xf32> to vector<512x128xbf16>
    %convert_element_type3A_659 = arith.truncf %slice3A_656 : vector<512x128xf32> to vector<512x128xbf16>
    %dot_general3A_660 = arith.constant dense<0.000000e+00> : vector<512x512xf32>
    %dot_general3A_661 = tpu.matmul %convert_element_type3A_658, %convert_element_type3A_659, %dot_general3A_660 {dimension_numbers = #tpu.dot_dimension_numbers<[1], [1], [0], [0], [0, 0, 1, 0], [], []>, transpose_lhs_hint = false} : vector<512x128xbf16>, vector<512x128xbf16>, vector<512x512xf32> -> vector<512x512xf32>
    %mul3A_662 = arith.constant 0.0883883461 : f32
    %mul3A_663 = vector.broadcast %mul3A_662 : f32 to vector<512x512xf32>
    %mul3A_664 = arith.mulf %dot_general3A_661, %mul3A_663 : vector<512x512xf32>
    %reduce_max3A_665 = arith.constant dense<0xFF800000> : vector<512xf32>
    %reduce_max3A_666 = vector.multi_reduction <maximumf>, %mul3A_664, %reduce_max3A_665 [1] : vector<512x512xf32> to vector<512xf32>
    %broadcast_in_dim3A_667 = vector.shape_cast %reduce_max3A_666 : vector<512xf32> to vector<512x1xf32>
    %sub3A_668 = vector.broadcast %broadcast_in_dim3A_667 : vector<512x1xf32> to vector<512x512xf32>
    %sub3A_669 = arith.subf %mul3A_664, %sub3A_668 : vector<512x512xf32>
    %exp3A_670 = math.exp %sub3A_669 : vector<512x512xf32>
    %reduce_sum3A_671 = arith.constant dense<0.000000e+00> : vector<512xf32>
    %reduce_sum3A_672 = vector.multi_reduction <add>, %exp3A_670, %reduce_sum3A_671 [1] : vector<512x512xf32> to vector<512xf32>
    %broadcast_in_dim3A_673 = vector.shape_cast %reduce_sum3A_672 : vector<512xf32> to vector<512x1xf32>
    %div3A_674 = vector.broadcast %broadcast_in_dim3A_673 : vector<512x1xf32> to vector<512x512xf32>
    %div3A_675 = arith.divf %exp3A_670, %div3A_674 : vector<512x512xf32>
    %convert_element_type3A_676 = arith.truncf %div3A_675 : vector<512x512xf32> to vector<512x512xbf16>
    %convert_element_type3A_677 = arith.truncf %slice3A_657 : vector<512x128xf32> to vector<512x128xbf16>
    %dot_general3A_678 = arith.constant dense<0.000000e+00> : vector<512x128xf32>
    %dot_general3A_679 = tpu.matmul %convert_element_type3A_676, %convert_element_type3A_677, %dot_general3A_678 {dimension_numbers = #tpu.dot_dimension_numbers<[1], [0], [0], [1], [0, 0, 1, 1], [], []>, transpose_lhs_hint = false} : vector<512x512xbf16>, vector<512x128xbf16>, vector<512x128xf32> -> vector<512x128xf32>
    %slice3A_680 = vector.extract_strided_slice %slice3A_602 {offsets = [0, 384], sizes = [512, 128], strides = [1, 1]} : vector<512x512xf32> to vector<512x128xf32>
    %slice3A_681 = vector.extract_strided_slice %slice3A_603 {offsets = [0, 384], sizes = [512, 128], strides = [1, 1]} : vector<512x512xf32> to vector<512x128xf32>
    %slice3A_682 = vector.extract_strided_slice %slice3A_604 {offsets = [0, 384], sizes = [512, 128], strides = [1, 1]} : vector<512x512xf32> to vector<512x128xf32>
    %convert_element_type3A_683 = arith.truncf %slice3A_680 : vector<512x128xf32> to vector<512x128xbf16>
    %convert_element_type3A_684 = arith.truncf %slice3A_681 : vector<512x128xf32> to vector<512x128xbf16>
    %dot_general3A_685 = arith.constant dense<0.000000e+00> : vector<512x512xf32>
    %dot_general3A_686 = tpu.matmul %convert_element_type3A_683, %convert_element_type3A_684, %dot_general3A_685 {dimension_numbers = #tpu.dot_dimension_numbers<[1], [1], [0], [0], [0, 0, 1, 0], [], []>, transpose_lhs_hint = false} : vector<512x128xbf16>, vector<512x128xbf16>, vector<512x512xf32> -> vector<512x512xf32>
    %mul3A_687 = arith.constant 0.0883883461 : f32
    %mul3A_688 = vector.broadcast %mul3A_687 : f32 to vector<512x512xf32>
    %mul3A_689 = arith.mulf %dot_general3A_686, %mul3A_688 : vector<512x512xf32>
    %reduce_max3A_690 = arith.constant dense<0xFF800000> : vector<512xf32>
    %reduce_max3A_691 = vector.multi_reduction <maximumf>, %mul3A_689, %reduce_max3A_690 [1] : vector<512x512xf32> to vector<512xf32>
    %broadcast_in_dim3A_692 = vector.shape_cast %reduce_max3A_691 : vector<512xf32> to vector<512x1xf32>
    %sub3A_693 = vector.broadcast %broadcast_in_dim3A_692 : vector<512x1xf32> to vector<512x512xf32>
    %sub3A_694 = arith.subf %mul3A_689, %sub3A_693 : vector<512x512xf32>
    %exp3A_695 = math.exp %sub3A_694 : vector<512x512xf32>
    %reduce_sum3A_696 = arith.constant dense<0.000000e+00> : vector<512xf32>
    %reduce_sum3A_697 = vector.multi_reduction <add>, %exp3A_695, %reduce_sum3A_696 [1] : vector<512x512xf32> to vector<512xf32>
    %broadcast_in_dim3A_698 = vector.shape_cast %reduce_sum3A_697 : vector<512xf32> to vector<512x1xf32>
    %div3A_699 = vector.broadcast %broadcast_in_dim3A_698 : vector<512x1xf32> to vector<512x512xf32>
    %div3A_700 = arith.divf %exp3A_695, %div3A_699 : vector<512x512xf32>
    %convert_element_type3A_701 = arith.truncf %div3A_700 : vector<512x512xf32> to vector<512x512xbf16>
    %convert_element_type3A_702 = arith.truncf %slice3A_682 : vector<512x128xf32> to vector<512x128xbf16>
    %dot_general3A_703 = arith.constant dense<0.000000e+00> : vector<512x128xf32>
    %dot_general3A_704 = tpu.matmul %convert_element_type3A_701, %convert_element_type3A_702, %dot_general3A_703 {dimension_numbers = #tpu.dot_dimension_numbers<[1], [0], [0], [1], [0, 0, 1, 1], [], []>, transpose_lhs_hint = false} : vector<512x512xbf16>, vector<512x128xbf16>, vector<512x128xf32> -> vector<512x128xf32>
    %concatenate3A_705 = tpu.concatenate %dot_general3A_629, %dot_general3A_654, %dot_general3A_679, %dot_general3A_704 in 1 : vector<512x128xf32>, vector<512x128xf32>, vector<512x128xf32>, vector<512x128xf32> -> vector<512x512xf32>
    %get3A_706 = arith.constant 0 : index
    %get3A_707 = arith.constant 0 : index
    %get3A_708 = vector.load %arg6[%get3A_706, %get3A_707] : memref<512x512xf32, #tpu.memory_space<vmem>>, vector<512x512xf32>
    %convert_element_type3A_709 = arith.truncf %concatenate3A_705 : vector<512x512xf32> to vector<512x512xbf16>
    %convert_element_type3A_710 = arith.truncf %get3A_708 : vector<512x512xf32> to vector<512x512xbf16>
    %dot_general3A_711 = arith.constant dense<0.000000e+00> : vector<512x512xf32>
    %dot_general3A_712 = tpu.matmul %convert_element_type3A_709, %convert_element_type3A_710, %dot_general3A_711 {dimension_numbers = #tpu.dot_dimension_numbers<[1], [1], [0], [0], [0, 0, 1, 0], [], []>, transpose_lhs_hint = false} : vector<512x512xbf16>, vector<512x512xbf16>, vector<512x512xf32> -> vector<512x512xf32>
    %get3A_713 = arith.constant 0 : index
    %get3A_714 = arith.constant 0 : index
    %get3A_715 = vector.load %arg7[%get3A_713, %get3A_714] : memref<1x512xf32, #tpu.memory_space<vmem>>, vector<1x512xf32>
    %add3A_716 = vector.broadcast %get3A_715 : vector<1x512xf32> to vector<512x512xf32>
    %add3A_717 = arith.addf %dot_general3A_712, %add3A_716 : vector<512x512xf32>
    %add3A_718 = arith.addf %add3A_589, %add3A_717 : vector<512x512xf32>
    %get3A_719 = arith.constant 0 : index
    %get3A_720 = arith.constant 0 : index
    %get3A_721 = vector.load %arg12[%get3A_719, %get3A_720] : memref<1x512xf32, #tpu.memory_space<vmem>>, vector<1x512xf32>
    %get3A_722 = arith.constant 0 : index
    %get3A_723 = arith.constant 0 : index
    %get3A_724 = vector.load %arg13[%get3A_722, %get3A_723] : memref<1x512xf32, #tpu.memory_space<vmem>>, vector<1x512xf32>
    %reduce_sum3A_725 = arith.constant dense<0.000000e+00> : vector<512xf32>
    %reduce_sum3A_726 = vector.multi_reduction <add>, %add3A_718, %reduce_sum3A_725 [1] : vector<512x512xf32> to vector<512xf32>
    %broadcast_in_dim3A_727 = vector.shape_cast %reduce_sum3A_726 : vector<512xf32> to vector<512x1xf32>
    %div3A_728 = arith.constant 5.120000e+02 : f32
    %div3A_729 = vector.broadcast %div3A_728 : f32 to vector<512x1xf32>
    %div3A_730 = arith.divf %broadcast_in_dim3A_727, %div3A_729 : vector<512x1xf32>
    %sub3A_731 = vector.broadcast %div3A_730 : vector<512x1xf32> to vector<512x512xf32>
    %sub3A_732 = arith.subf %add3A_718, %sub3A_731 : vector<512x512xf32>
    %integer_pow3A_733 = arith.mulf %sub3A_732, %sub3A_732 : vector<512x512xf32>
    %reduce_sum3A_734 = arith.constant dense<0.000000e+00> : vector<512xf32>
    %reduce_sum3A_735 = vector.multi_reduction <add>, %integer_pow3A_733, %reduce_sum3A_734 [1] : vector<512x512xf32> to vector<512xf32>
    %broadcast_in_dim3A_736 = vector.shape_cast %reduce_sum3A_735 : vector<512xf32> to vector<512x1xf32>
    %div3A_737 = arith.constant 5.120000e+02 : f32
    %div3A_738 = vector.broadcast %div3A_737 : f32 to vector<512x1xf32>
    %div3A_739 = arith.divf %broadcast_in_dim3A_736, %div3A_738 : vector<512x1xf32>
    %sub3A_740 = vector.broadcast %div3A_730 : vector<512x1xf32> to vector<512x512xf32>
    %sub3A_741 = arith.subf %add3A_718, %sub3A_740 : vector<512x512xf32>
    %add3A_742 = arith.constant 9.99999974E-6 : f32
    %add3A_743 = vector.broadcast %add3A_742 : f32 to vector<512x1xf32>
    %add3A_744 = arith.addf %div3A_739, %add3A_743 : vector<512x1xf32>
    %rsqrt3A_745 = math.rsqrt %add3A_744 : vector<512x1xf32>
    %mul3A_746 = vector.broadcast %rsqrt3A_745 : vector<512x1xf32> to vector<512x512xf32>
    %mul3A_747 = arith.mulf %sub3A_741, %mul3A_746 : vector<512x512xf32>
    %mul3A_748 = vector.broadcast %get3A_721 : vector<1x512xf32> to vector<512x512xf32>
    %mul3A_749 = arith.mulf %mul3A_747, %mul3A_748 : vector<512x512xf32>
    %add3A_750 = vector.broadcast %get3A_724 : vector<1x512xf32> to vector<512x512xf32>
    %add3A_751 = arith.addf %mul3A_749, %add3A_750 : vector<512x512xf32>
    %get3A_752 = arith.constant 0 : index
    %get3A_753 = arith.constant 0 : index
    %get3A_754 = vector.load %arg8[%get3A_752, %get3A_753] : memref<256x512xf32, #tpu.memory_space<vmem>>, vector<256x512xf32>
    %convert_element_type3A_755 = arith.truncf %add3A_751 : vector<512x512xf32> to vector<512x512xbf16>
    %convert_element_type3A_756 = arith.truncf %get3A_754 : vector<256x512xf32> to vector<256x512xbf16>
    %dot_general3A_757 = arith.constant dense<0.000000e+00> : vector<512x256xf32>
    %dot_general3A_758 = tpu.matmul %convert_element_type3A_755, %convert_element_type3A_756, %dot_general3A_757 {dimension_numbers = #tpu.dot_dimension_numbers<[1], [1], [0], [0], [0, 0, 1, 0], [], []>, transpose_lhs_hint = false} : vector<512x512xbf16>, vector<256x512xbf16>, vector<512x256xf32> -> vector<512x256xf32>
    %get3A_759 = arith.constant 0 : index
    %get3A_760 = arith.constant 0 : index
    %get3A_761 = vector.load %arg9[%get3A_759, %get3A_760] : memref<1x256xf32, #tpu.memory_space<vmem>>, vector<1x256xf32>
    %add3A_762 = vector.broadcast %get3A_761 : vector<1x256xf32> to vector<512x256xf32>
    %add3A_763 = arith.addf %dot_general3A_758, %add3A_762 : vector<512x256xf32>
    %max3A_764 = arith.constant 0.000000e+00 : f32
    %max3A_765 = vector.broadcast %max3A_764 : f32 to vector<512x256xf32>
    %max3A_766 = arith.maximumf %add3A_763, %max3A_765 : vector<512x256xf32>
    %get3A_767 = arith.constant 0 : index
    %get3A_768 = arith.constant 0 : index
    %get3A_769 = vector.load %arg10[%get3A_767, %get3A_768] : memref<512x256xf32, #tpu.memory_space<vmem>>, vector<512x256xf32>
    %convert_element_type3A_770 = arith.truncf %max3A_766 : vector<512x256xf32> to vector<512x256xbf16>
    %convert_element_type3A_771 = arith.truncf %get3A_769 : vector<512x256xf32> to vector<512x256xbf16>
    %dot_general3A_772 = arith.constant dense<0.000000e+00> : vector<512x512xf32>
    %dot_general3A_773 = tpu.matmul %convert_element_type3A_770, %convert_element_type3A_771, %dot_general3A_772 {dimension_numbers = #tpu.dot_dimension_numbers<[1], [1], [0], [0], [0, 0, 1, 0], [], []>, transpose_lhs_hint = false} : vector<512x256xbf16>, vector<512x256xbf16>, vector<512x512xf32> -> vector<512x512xf32>
    %get3A_774 = arith.constant 0 : index
    %get3A_775 = arith.constant 0 : index
    %get3A_776 = vector.load %arg11[%get3A_774, %get3A_775] : memref<1x512xf32, #tpu.memory_space<vmem>>, vector<1x512xf32>
    %add3A_777 = vector.broadcast %get3A_776 : vector<1x512xf32> to vector<512x512xf32>
    %add3A_778 = arith.addf %dot_general3A_773, %add3A_777 : vector<512x512xf32>
    %add3A_779 = arith.addf %add3A_751, %add3A_778 : vector<512x512xf32>
    %get3A_780 = arith.constant 0 : index
    %get3A_781 = arith.constant 0 : index
    %get3A_782 = vector.load %arg14[%get3A_780, %get3A_781] : memref<1x512xf32, #tpu.memory_space<vmem>>, vector<1x512xf32>
    %get3A_783 = arith.constant 0 : index
    %get3A_784 = arith.constant 0 : index
    %get3A_785 = vector.load %arg15[%get3A_783, %get3A_784] : memref<1x512xf32, #tpu.memory_space<vmem>>, vector<1x512xf32>
    %reduce_sum3A_786 = arith.constant dense<0.000000e+00> : vector<512xf32>
    %reduce_sum3A_787 = vector.multi_reduction <add>, %add3A_779, %reduce_sum3A_786 [1] : vector<512x512xf32> to vector<512xf32>
    %broadcast_in_dim3A_788 = vector.shape_cast %reduce_sum3A_787 : vector<512xf32> to vector<512x1xf32>
    %div3A_789 = arith.constant 5.120000e+02 : f32
    %div3A_790 = vector.broadcast %div3A_789 : f32 to vector<512x1xf32>
    %div3A_791 = arith.divf %broadcast_in_dim3A_788, %div3A_790 : vector<512x1xf32>
    %sub3A_792 = vector.broadcast %div3A_791 : vector<512x1xf32> to vector<512x512xf32>
    %sub3A_793 = arith.subf %add3A_779, %sub3A_792 : vector<512x512xf32>
    %integer_pow3A_794 = arith.mulf %sub3A_793, %sub3A_793 : vector<512x512xf32>
    %reduce_sum3A_795 = arith.constant dense<0.000000e+00> : vector<512xf32>
    %reduce_sum3A_796 = vector.multi_reduction <add>, %integer_pow3A_794, %reduce_sum3A_795 [1] : vector<512x512xf32> to vector<512xf32>
    %broadcast_in_dim3A_797 = vector.shape_cast %reduce_sum3A_796 : vector<512xf32> to vector<512x1xf32>
    %div3A_798 = arith.constant 5.120000e+02 : f32
    %div3A_799 = vector.broadcast %div3A_798 : f32 to vector<512x1xf32>
    %div3A_800 = arith.divf %broadcast_in_dim3A_797, %div3A_799 : vector<512x1xf32>
    %sub3A_801 = vector.broadcast %div3A_791 : vector<512x1xf32> to vector<512x512xf32>
    %sub3A_802 = arith.subf %add3A_779, %sub3A_801 : vector<512x512xf32>
    %add3A_803 = arith.constant 9.99999974E-6 : f32
    %add3A_804 = vector.broadcast %add3A_803 : f32 to vector<512x1xf32>
    %add3A_805 = arith.addf %div3A_800, %add3A_804 : vector<512x1xf32>
    %rsqrt3A_806 = math.rsqrt %add3A_805 : vector<512x1xf32>
    %mul3A_807 = vector.broadcast %rsqrt3A_806 : vector<512x1xf32> to vector<512x512xf32>
    %mul3A_808 = arith.mulf %sub3A_802, %mul3A_807 : vector<512x512xf32>
    %mul3A_809 = vector.broadcast %get3A_782 : vector<1x512xf32> to vector<512x512xf32>
    %mul3A_810 = arith.mulf %mul3A_808, %mul3A_809 : vector<512x512xf32>
    %add3A_811 = vector.broadcast %get3A_785 : vector<1x512xf32> to vector<512x512xf32>
    %add3A_812 = arith.addf %mul3A_810, %add3A_811 : vector<512x512xf32>
    %convert_element_type3A_813 = arith.truncf %add3A_812 : vector<512x512xf32> to vector<512x512xbf16>
    %swap3A_814 = arith.constant 1024 : index
    %swap3A_815 = arith.constant 0 : index
    %swap3A_816 = vector.load %arg16[%swap3A_814, %swap3A_815] : memref<2048x512xbf16, #tpu.memory_space<vmem>>, vector<512x512xbf16>
    tpu.vector_store %arg16[%swap3A_814, %swap3A_815], %convert_element_type3A_813 {strides = array<i32>} : memref<2048x512xbf16, #tpu.memory_space<vmem>>, vector<512x512xbf16>,
    %get3A_817 = arith.constant 1536 : index
    %get3A_818 = arith.constant 0 : index
    %get3A_819 = vector.load %arg1[%get3A_817, %get3A_818] : memref<2048x512xf32, #tpu.memory_space<vmem>>, vector<512x512xf32>
    %reduce_sum3A_820 = arith.constant dense<0.000000e+00> : vector<512xf32>
    %reduce_sum3A_821 = vector.multi_reduction <add>, %get3A_819, %reduce_sum3A_820 [0] : vector<512x512xf32> to vector<512xf32>
    %broadcast_in_dim3A_822 = vector.shape_cast %reduce_sum3A_821 : vector<512xf32> to vector<1x512xf32>
    %div3A_823 = arith.constant 5.120000e+02 : f32
    %div3A_824 = vector.broadcast %div3A_823 : f32 to vector<1x512xf32>
    %div3A_825 = arith.divf %broadcast_in_dim3A_822, %div3A_824 : vector<1x512xf32>
    %get3A_826 = arith.constant 0 : index
    %get3A_827 = arith.constant 0 : index
    %get3A_828 = vector.load %arg2[%get3A_826, %get3A_827] : memref<256x512xf32, #tpu.memory_space<vmem>>, vector<256x512xf32>
    %mul3A_829 = arith.mulf %get3A_828, %get3A_828 : vector<256x512xf32>
    %reduce_sum3A_830 = arith.constant dense<0.000000e+00> : vector<256xf32>
    %reduce_sum3A_831 = vector.multi_reduction <add>, %mul3A_829, %reduce_sum3A_830 [1] : vector<256x512xf32> to vector<256xf32>
    %broadcast_in_dim3A_832 = vector.shape_cast %reduce_sum3A_831 : vector<256xf32> to vector<256x1xf32>
    %max3A_833 = arith.constant 1.000000e-16 : f32
    %max3A_834 = vector.broadcast %max3A_833 : f32 to vector<256x1xf32>
    %max3A_835 = arith.maximumf %broadcast_in_dim3A_832, %max3A_834 : vector<256x1xf32>
    %rsqrt3A_836 = math.rsqrt %max3A_835 : vector<256x1xf32>
    %mul3A_837 = vector.broadcast %rsqrt3A_836 : vector<256x1xf32> to vector<256x512xf32>
    %mul3A_838 = arith.mulf %get3A_828, %mul3A_837 : vector<256x512xf32>
    %mul3A_839 = vector.broadcast %div3A_825 : vector<1x512xf32> to vector<256x512xf32>
    %mul3A_840 = arith.mulf %mul3A_838, %mul3A_839 : vector<256x512xf32>
    %reduce_sum3A_841 = arith.constant dense<0.000000e+00> : vector<256xf32>
    %reduce_sum3A_842 = vector.multi_reduction <add>, %mul3A_840, %reduce_sum3A_841 [1] : vector<256x512xf32> to vector<256xf32>
    %broadcast_in_dim3A_843 = vector.shape_cast %reduce_sum3A_842 : vector<256xf32> to vector<256x1xf32>
    %reduce_max3A_844 = arith.constant dense<0xFF800000> : vector<1xf32>
    %reduce_max3A_845 = vector.multi_reduction <maximumf>, %broadcast_in_dim3A_843, %reduce_max3A_844 [0] : vector<256x1xf32> to vector<1xf32>
    %broadcast_in_dim3A_846 = vector.shape_cast %reduce_max3A_845 : vector<1xf32> to vector<1x1xf32>
    %iota3A_847 = tpu.iota {dimensions = array<i32: 0>} : vector<256x1xi32>
    %ge3A_848 = vector.broadcast %broadcast_in_dim3A_846 : vector<1x1xf32> to vector<256x1xf32>
    %ge3A_849 = arith.cmpf oge, %broadcast_in_dim3A_843, %ge3A_848 : vector<256x1xf32>
    %jit3A_850 = arith.constant 257 : i32
    %broadcast_in_dim3A_851 = vector.broadcast %jit3A_850 : i32 to vector<256x1xi32>
    %select_n3A_852 = arith.select %ge3A_849, %iota3A_847, %broadcast_in_dim3A_851 : vector<256x1xi1>, vector<256x1xi32>
    %reduce_min3A_853 = arith.constant dense<2147483647> : vector<1xi32>
    %reduce_min3A_854 = vector.multi_reduction <minsi>, %select_n3A_852, %reduce_min3A_853 [0] : vector<256x1xi32> to vector<1xi32>
    %broadcast_in_dim3A_855 = vector.shape_cast %reduce_min3A_854 : vector<1xi32> to vector<1x1xi32>
    %eq3A_856 = vector.broadcast %broadcast_in_dim3A_855 : vector<1x1xi32> to vector<256x1xi32>
    %eq3A_857 = arith.cmpi eq, %iota3A_847, %eq3A_856 : vector<256x1xi32>
    %convert_element_type3A_858 = arith.extui %eq3A_857 : vector<256x1xi1> to vector<256x1xi32>
    %convert_element_type3A_859 = arith.sitofp %convert_element_type3A_858 : vector<256x1xi32> to vector<256x1xf32>
    %get3A_860 = arith.constant 0 : index
    %get3A_861 = arith.constant 0 : index
    %get3A_862 = vector.load %arg3[%get3A_860, %get3A_861] : memref<256x512xf32, #tpu.memory_space<vmem>>, vector<256x512xf32>
    %mul3A_863 = vector.broadcast %convert_element_type3A_859 : vector<256x1xf32> to vector<256x512xf32>
    %mul3A_864 = arith.mulf %mul3A_863, %get3A_862 : vector<256x512xf32>
    %reduce_sum3A_865 = arith.constant dense<0.000000e+00> : vector<512xf32>
    %reduce_sum3A_866 = vector.multi_reduction <add>, %mul3A_864, %reduce_sum3A_865 [0] : vector<256x512xf32> to vector<512xf32>
    %broadcast_in_dim3A_867 = vector.shape_cast %reduce_sum3A_866 : vector<512xf32> to vector<1x512xf32>
    %add3A_868 = vector.broadcast %broadcast_in_dim3A_867 : vector<1x512xf32> to vector<512x512xf32>
    %add3A_869 = arith.addf %get3A_819, %add3A_868 : vector<512x512xf32>
    %get3A_870 = arith.constant 0 : index
    %get3A_871 = arith.constant 0 : index
    %get3A_872 = vector.load %arg4[%get3A_870, %get3A_871] : memref<1536x512xf32, #tpu.memory_space<vmem>>, vector<1536x512xf32>
    %convert_element_type3A_873 = arith.truncf %add3A_869 : vector<512x512xf32> to vector<512x512xbf16>
    %convert_element_type3A_874 = arith.truncf %get3A_872 : vector<1536x512xf32> to vector<1536x512xbf16>
    %dot_general3A_875 = arith.constant dense<0.000000e+00> : vector<512x1536xf32>
    %dot_general3A_876 = tpu.matmul %convert_element_type3A_873, %convert_element_type3A_874, %dot_general3A_875 {dimension_numbers = #tpu.dot_dimension_numbers<[1], [1], [0], [0], [0, 0, 1, 0], [], []>, transpose_lhs_hint = false} : vector<512x512xbf16>, vector<1536x512xbf16>, vector<512x1536xf32> -> vector<512x1536xf32>
    %get3A_877 = arith.constant 0 : index
    %get3A_878 = arith.constant 0 : index
    %get3A_879 = vector.load %arg5[%get3A_877, %get3A_878] : memref<1x1536xf32, #tpu.memory_space<vmem>>, vector<1x1536xf32>
    %add3A_880 = vector.broadcast %get3A_879 : vector<1x1536xf32> to vector<512x1536xf32>
    %add3A_881 = arith.addf %dot_general3A_876, %add3A_880 : vector<512x1536xf32>
    %slice3A_882 = vector.extract_strided_slice %add3A_881 {offsets = [0, 0], sizes = [512, 512], strides = [1, 1]} : vector<512x1536xf32> to vector<512x512xf32>
    %slice3A_883 = vector.extract_strided_slice %add3A_881 {offsets = [0, 512], sizes = [512, 512], strides = [1, 1]} : vector<512x1536xf32> to vector<512x512xf32>
    %slice3A_884 = vector.extract_strided_slice %add3A_881 {offsets = [0, 1024], sizes = [512, 512], strides = [1, 1]} : vector<512x1536xf32> to vector<512x512xf32>
    %slice3A_885 = vector.extract_strided_slice %slice3A_882 {offsets = [0, 0], sizes = [512, 128], strides = [1, 1]} : vector<512x512xf32> to vector<512x128xf32>
    %slice3A_886 = vector.extract_strided_slice %slice3A_883 {offsets = [0, 0], sizes = [512, 128], strides = [1, 1]} : vector<512x512xf32> to vector<512x128xf32>
    %slice3A_887 = vector.extract_strided_slice %slice3A_884 {offsets = [0, 0], sizes = [512, 128], strides = [1, 1]} : vector<512x512xf32> to vector<512x128xf32>
    %convert_element_type3A_888 = arith.truncf %slice3A_885 : vector<512x128xf32> to vector<512x128xbf16>
    %convert_element_type3A_889 = arith.truncf %slice3A_886 : vector<512x128xf32> to vector<512x128xbf16>
    %dot_general3A_890 = arith.constant dense<0.000000e+00> : vector<512x512xf32>
    %dot_general3A_891 = tpu.matmul %convert_element_type3A_888, %convert_element_type3A_889, %dot_general3A_890 {dimension_numbers = #tpu.dot_dimension_numbers<[1], [1], [0], [0], [0, 0, 1, 0], [], []>, transpose_lhs_hint = false} : vector<512x128xbf16>, vector<512x128xbf16>, vector<512x512xf32> -> vector<512x512xf32>
    %mul3A_892 = arith.constant 0.0883883461 : f32
    %mul3A_893 = vector.broadcast %mul3A_892 : f32 to vector<512x512xf32>
    %mul3A_894 = arith.mulf %dot_general3A_891, %mul3A_893 : vector<512x512xf32>
    %reduce_max3A_895 = arith.constant dense<0xFF800000> : vector<512xf32>
    %reduce_max3A_896 = vector.multi_reduction <maximumf>, %mul3A_894, %reduce_max3A_895 [1] : vector<512x512xf32> to vector<512xf32>
    %broadcast_in_dim3A_897 = vector.shape_cast %reduce_max3A_896 : vector<512xf32> to vector<512x1xf32>
    %sub3A_898 = vector.broadcast %broadcast_in_dim3A_897 : vector<512x1xf32> to vector<512x512xf32>
    %sub3A_899 = arith.subf %mul3A_894, %sub3A_898 : vector<512x512xf32>
    %exp3A_900 = math.exp %sub3A_899 : vector<512x512xf32>
    %reduce_sum3A_901 = arith.constant dense<0.000000e+00> : vector<512xf32>
    %reduce_sum3A_902 = vector.multi_reduction <add>, %exp3A_900, %reduce_sum3A_901 [1] : vector<512x512xf32> to vector<512xf32>
    %broadcast_in_dim3A_903 = vector.shape_cast %reduce_sum3A_902 : vector<512xf32> to vector<512x1xf32>
    %div3A_904 = vector.broadcast %broadcast_in_dim3A_903 : vector<512x1xf32> to vector<512x512xf32>
    %div3A_905 = arith.divf %exp3A_900, %div3A_904 : vector<512x512xf32>
    %convert_element_type3A_906 = arith.truncf %div3A_905 : vector<512x512xf32> to vector<512x512xbf16>
    %convert_element_type3A_907 = arith.truncf %slice3A_887 : vector<512x128xf32> to vector<512x128xbf16>
    %dot_general3A_908 = arith.constant dense<0.000000e+00> : vector<512x128xf32>
    %dot_general3A_909 = tpu.matmul %convert_element_type3A_906, %convert_element_type3A_907, %dot_general3A_908 {dimension_numbers = #tpu.dot_dimension_numbers<[1], [0], [0], [1], [0, 0, 1, 1], [], []>, transpose_lhs_hint = false} : vector<512x512xbf16>, vector<512x128xbf16>, vector<512x128xf32> -> vector<512x128xf32>
    %slice3A_910 = vector.extract_strided_slice %slice3A_882 {offsets = [0, 128], sizes = [512, 128], strides = [1, 1]} : vector<512x512xf32> to vector<512x128xf32>
    %slice3A_911 = vector.extract_strided_slice %slice3A_883 {offsets = [0, 128], sizes = [512, 128], strides = [1, 1]} : vector<512x512xf32> to vector<512x128xf32>
    %slice3A_912 = vector.extract_strided_slice %slice3A_884 {offsets = [0, 128], sizes = [512, 128], strides = [1, 1]} : vector<512x512xf32> to vector<512x128xf32>
    %convert_element_type3A_913 = arith.truncf %slice3A_910 : vector<512x128xf32> to vector<512x128xbf16>
    %convert_element_type3A_914 = arith.truncf %slice3A_911 : vector<512x128xf32> to vector<512x128xbf16>
    %dot_general3A_915 = arith.constant dense<0.000000e+00> : vector<512x512xf32>
    %dot_general3A_916 = tpu.matmul %convert_element_type3A_913, %convert_element_type3A_914, %dot_general3A_915 {dimension_numbers = #tpu.dot_dimension_numbers<[1], [1], [0], [0], [0, 0, 1, 0], [], []>, transpose_lhs_hint = false} : vector<512x128xbf16>, vector<512x128xbf16>, vector<512x512xf32> -> vector<512x512xf32>
    %mul3A_917 = arith.constant 0.0883883461 : f32
    %mul3A_918 = vector.broadcast %mul3A_917 : f32 to vector<512x512xf32>
    %mul3A_919 = arith.mulf %dot_general3A_916, %mul3A_918 : vector<512x512xf32>
    %reduce_max3A_920 = arith.constant dense<0xFF800000> : vector<512xf32>
    %reduce_max3A_921 = vector.multi_reduction <maximumf>, %mul3A_919, %reduce_max3A_920 [1] : vector<512x512xf32> to vector<512xf32>
    %broadcast_in_dim3A_922 = vector.shape_cast %reduce_max3A_921 : vector<512xf32> to vector<512x1xf32>
    %sub3A_923 = vector.broadcast %broadcast_in_dim3A_922 : vector<512x1xf32> to vector<512x512xf32>
    %sub3A_924 = arith.subf %mul3A_919, %sub3A_923 : vector<512x512xf32>
    %exp3A_925 = math.exp %sub3A_924 : vector<512x512xf32>
    %reduce_sum3A_926 = arith.constant dense<0.000000e+00> : vector<512xf32>
    %reduce_sum3A_927 = vector.multi_reduction <add>, %exp3A_925, %reduce_sum3A_926 [1] : vector<512x512xf32> to vector<512xf32>
    %broadcast_in_dim3A_928 = vector.shape_cast %reduce_sum3A_927 : vector<512xf32> to vector<512x1xf32>
    %div3A_929 = vector.broadcast %broadcast_in_dim3A_928 : vector<512x1xf32> to vector<512x512xf32>
    %div3A_930 = arith.divf %exp3A_925, %div3A_929 : vector<512x512xf32>
    %convert_element_type3A_931 = arith.truncf %div3A_930 : vector<512x512xf32> to vector<512x512xbf16>
    %convert_element_type3A_932 = arith.truncf %slice3A_912 : vector<512x128xf32> to vector<512x128xbf16>
    %dot_general3A_933 = arith.constant dense<0.000000e+00> : vector<512x128xf32>
    %dot_general3A_934 = tpu.matmul %convert_element_type3A_931, %convert_element_type3A_932, %dot_general3A_933 {dimension_numbers = #tpu.dot_dimension_numbers<[1], [0], [0], [1], [0, 0, 1, 1], [], []>, transpose_lhs_hint = false} : vector<512x512xbf16>, vector<512x128xbf16>, vector<512x128xf32> -> vector<512x128xf32>
    %slice3A_935 = vector.extract_strided_slice %slice3A_882 {offsets = [0, 256], sizes = [512, 128], strides = [1, 1]} : vector<512x512xf32> to vector<512x128xf32>
    %slice3A_936 = vector.extract_strided_slice %slice3A_883 {offsets = [0, 256], sizes = [512, 128], strides = [1, 1]} : vector<512x512xf32> to vector<512x128xf32>
    %slice3A_937 = vector.extract_strided_slice %slice3A_884 {offsets = [0, 256], sizes = [512, 128], strides = [1, 1]} : vector<512x512xf32> to vector<512x128xf32>
    %convert_element_type3A_938 = arith.truncf %slice3A_935 : vector<512x128xf32> to vector<512x128xbf16>
    %convert_element_type3A_939 = arith.truncf %slice3A_936 : vector<512x128xf32> to vector<512x128xbf16>
    %dot_general3A_940 = arith.constant dense<0.000000e+00> : vector<512x512xf32>
    %dot_general3A_941 = tpu.matmul %convert_element_type3A_938, %convert_element_type3A_939, %dot_general3A_940 {dimension_numbers = #tpu.dot_dimension_numbers<[1], [1], [0], [0], [0, 0, 1, 0], [], []>, transpose_lhs_hint = false} : vector<512x128xbf16>, vector<512x128xbf16>, vector<512x512xf32> -> vector<512x512xf32>
    %mul3A_942 = arith.constant 0.0883883461 : f32
    %mul3A_943 = vector.broadcast %mul3A_942 : f32 to vector<512x512xf32>
    %mul3A_944 = arith.mulf %dot_general3A_941, %mul3A_943 : vector<512x512xf32>
    %reduce_max3A_945 = arith.constant dense<0xFF800000> : vector<512xf32>
    %reduce_max3A_946 = vector.multi_reduction <maximumf>, %mul3A_944, %reduce_max3A_945 [1] : vector<512x512xf32> to vector<512xf32>
    %broadcast_in_dim3A_947 = vector.shape_cast %reduce_max3A_946 : vector<512xf32> to vector<512x1xf32>
    %sub3A_948 = vector.broadcast %broadcast_in_dim3A_947 : vector<512x1xf32> to vector<512x512xf32>
    %sub3A_949 = arith.subf %mul3A_944, %sub3A_948 : vector<512x512xf32>
    %exp3A_950 = math.exp %sub3A_949 : vector<512x512xf32>
    %reduce_sum3A_951 = arith.constant dense<0.000000e+00> : vector<512xf32>
    %reduce_sum3A_952 = vector.multi_reduction <add>, %exp3A_950, %reduce_sum3A_951 [1] : vector<512x512xf32> to vector<512xf32>
    %broadcast_in_dim3A_953 = vector.shape_cast %reduce_sum3A_952 : vector<512xf32> to vector<512x1xf32>
    %div3A_954 = vector.broadcast %broadcast_in_dim3A_953 : vector<512x1xf32> to vector<512x512xf32>
    %div3A_955 = arith.divf %exp3A_950, %div3A_954 : vector<512x512xf32>
    %convert_element_type3A_956 = arith.truncf %div3A_955 : vector<512x512xf32> to vector<512x512xbf16>
    %convert_element_type3A_957 = arith.truncf %slice3A_937 : vector<512x128xf32> to vector<512x128xbf16>
    %dot_general3A_958 = arith.constant dense<0.000000e+00> : vector<512x128xf32>
    %dot_general3A_959 = tpu.matmul %convert_element_type3A_956, %convert_element_type3A_957, %dot_general3A_958 {dimension_numbers = #tpu.dot_dimension_numbers<[1], [0], [0], [1], [0, 0, 1, 1], [], []>, transpose_lhs_hint = false} : vector<512x512xbf16>, vector<512x128xbf16>, vector<512x128xf32> -> vector<512x128xf32>
    %slice3A_960 = vector.extract_strided_slice %slice3A_882 {offsets = [0, 384], sizes = [512, 128], strides = [1, 1]} : vector<512x512xf32> to vector<512x128xf32>
    %slice3A_961 = vector.extract_strided_slice %slice3A_883 {offsets = [0, 384], sizes = [512, 128], strides = [1, 1]} : vector<512x512xf32> to vector<512x128xf32>
    %slice3A_962 = vector.extract_strided_slice %slice3A_884 {offsets = [0, 384], sizes = [512, 128], strides = [1, 1]} : vector<512x512xf32> to vector<512x128xf32>
    %convert_element_type3A_963 = arith.truncf %slice3A_960 : vector<512x128xf32> to vector<512x128xbf16>
    %convert_element_type3A_964 = arith.truncf %slice3A_961 : vector<512x128xf32> to vector<512x128xbf16>
    %dot_general3A_965 = arith.constant dense<0.000000e+00> : vector<512x512xf32>
    %dot_general3A_966 = tpu.matmul %convert_element_type3A_963, %convert_element_type3A_964, %dot_general3A_965 {dimension_numbers = #tpu.dot_dimension_numbers<[1], [1], [0], [0], [0, 0, 1, 0], [], []>, transpose_lhs_hint = false} : vector<512x128xbf16>, vector<512x128xbf16>, vector<512x512xf32> -> vector<512x512xf32>
    %mul3A_967 = arith.constant 0.0883883461 : f32
    %mul3A_968 = vector.broadcast %mul3A_967 : f32 to vector<512x512xf32>
    %mul3A_969 = arith.mulf %dot_general3A_966, %mul3A_968 : vector<512x512xf32>
    %reduce_max3A_970 = arith.constant dense<0xFF800000> : vector<512xf32>
    %reduce_max3A_971 = vector.multi_reduction <maximumf>, %mul3A_969, %reduce_max3A_970 [1] : vector<512x512xf32> to vector<512xf32>
    %broadcast_in_dim3A_972 = vector.shape_cast %reduce_max3A_971 : vector<512xf32> to vector<512x1xf32>
    %sub3A_973 = vector.broadcast %broadcast_in_dim3A_972 : vector<512x1xf32> to vector<512x512xf32>
    %sub3A_974 = arith.subf %mul3A_969, %sub3A_973 : vector<512x512xf32>
    %exp3A_975 = math.exp %sub3A_974 : vector<512x512xf32>
    %reduce_sum3A_976 = arith.constant dense<0.000000e+00> : vector<512xf32>
    %reduce_sum3A_977 = vector.multi_reduction <add>, %exp3A_975, %reduce_sum3A_976 [1] : vector<512x512xf32> to vector<512xf32>
    %broadcast_in_dim3A_978 = vector.shape_cast %reduce_sum3A_977 : vector<512xf32> to vector<512x1xf32>
    %div3A_979 = vector.broadcast %broadcast_in_dim3A_978 : vector<512x1xf32> to vector<512x512xf32>
    %div3A_980 = arith.divf %exp3A_975, %div3A_979 : vector<512x512xf32>
    %convert_element_type3A_981 = arith.truncf %div3A_980 : vector<512x512xf32> to vector<512x512xbf16>
    %convert_element_type3A_982 = arith.truncf %slice3A_962 : vector<512x128xf32> to vector<512x128xbf16>
    %dot_general3A_983 = arith.constant dense<0.000000e+00> : vector<512x128xf32>
    %dot_general3A_984 = tpu.matmul %convert_element_type3A_981, %convert_element_type3A_982, %dot_general3A_983 {dimension_numbers = #tpu.dot_dimension_numbers<[1], [0], [0], [1], [0, 0, 1, 1], [], []>, transpose_lhs_hint = false} : vector<512x512xbf16>, vector<512x128xbf16>, vector<512x128xf32> -> vector<512x128xf32>
    %concatenate3A_985 = tpu.concatenate %dot_general3A_909, %dot_general3A_934, %dot_general3A_959, %dot_general3A_984 in 1 : vector<512x128xf32>, vector<512x128xf32>, vector<512x128xf32>, vector<512x128xf32> -> vector<512x512xf32>
    %get3A_986 = arith.constant 0 : index
    %get3A_987 = arith.constant 0 : index
    %get3A_988 = vector.load %arg6[%get3A_986, %get3A_987] : memref<512x512xf32, #tpu.memory_space<vmem>>, vector<512x512xf32>
    %convert_element_type3A_989 = arith.truncf %concatenate3A_985 : vector<512x512xf32> to vector<512x512xbf16>
    %convert_element_type3A_990 = arith.truncf %get3A_988 : vector<512x512xf32> to vector<512x512xbf16>
    %dot_general3A_991 = arith.constant dense<0.000000e+00> : vector<512x512xf32>
    %dot_general3A_992 = tpu.matmul %convert_element_type3A_989, %convert_element_type3A_990, %dot_general3A_991 {dimension_numbers = #tpu.dot_dimension_numbers<[1], [1], [0], [0], [0, 0, 1, 0], [], []>, transpose_lhs_hint = false} : vector<512x512xbf16>, vector<512x512xbf16>, vector<512x512xf32> -> vector<512x512xf32>
    %get3A_993 = arith.constant 0 : index
    %get3A_994 = arith.constant 0 : index
    %get3A_995 = vector.load %arg7[%get3A_993, %get3A_994] : memref<1x512xf32, #tpu.memory_space<vmem>>, vector<1x512xf32>
    %add3A_996 = vector.broadcast %get3A_995 : vector<1x512xf32> to vector<512x512xf32>
    %add3A_997 = arith.addf %dot_general3A_992, %add3A_996 : vector<512x512xf32>
    %add3A_998 = arith.addf %add3A_869, %add3A_997 : vector<512x512xf32>
    %get3A_999 = arith.constant 0 : index
    %get3A_1000 = arith.constant 0 : index
    %get3A_1001 = vector.load %arg12[%get3A_999, %get3A_1000] : memref<1x512xf32, #tpu.memory_space<vmem>>, vector<1x512xf32>
    %get3A_1002 = arith.constant 0 : index
    %get3A_1003 = arith.constant 0 : index
    %get3A_1004 = vector.load %arg13[%get3A_1002, %get3A_1003] : memref<1x512xf32, #tpu.memory_space<vmem>>, vector<1x512xf32>
    %reduce_sum3A_1005 = arith.constant dense<0.000000e+00> : vector<512xf32>
    %reduce_sum3A_1006 = vector.multi_reduction <add>, %add3A_998, %reduce_sum3A_1005 [1] : vector<512x512xf32> to vector<512xf32>
    %broadcast_in_dim3A_1007 = vector.shape_cast %reduce_sum3A_1006 : vector<512xf32> to vector<512x1xf32>
    %div3A_1008 = arith.constant 5.120000e+02 : f32
    %div3A_1009 = vector.broadcast %div3A_1008 : f32 to vector<512x1xf32>
    %div3A_1010 = arith.divf %broadcast_in_dim3A_1007, %div3A_1009 : vector<512x1xf32>
    %sub3A_1011 = vector.broadcast %div3A_1010 : vector<512x1xf32> to vector<512x512xf32>
    %sub3A_1012 = arith.subf %add3A_998, %sub3A_1011 : vector<512x512xf32>
    %integer_pow3A_1013 = arith.mulf %sub3A_1012, %sub3A_1012 : vector<512x512xf32>
    %reduce_sum3A_1014 = arith.constant dense<0.000000e+00> : vector<512xf32>
    %reduce_sum3A_1015 = vector.multi_reduction <add>, %integer_pow3A_1013, %reduce_sum3A_1014 [1] : vector<512x512xf32> to vector<512xf32>
    %broadcast_in_dim3A_1016 = vector.shape_cast %reduce_sum3A_1015 : vector<512xf32> to vector<512x1xf32>
    %div3A_1017 = arith.constant 5.120000e+02 : f32
    %div3A_1018 = vector.broadcast %div3A_1017 : f32 to vector<512x1xf32>
    %div3A_1019 = arith.divf %broadcast_in_dim3A_1016, %div3A_1018 : vector<512x1xf32>
    %sub3A_1020 = vector.broadcast %div3A_1010 : vector<512x1xf32> to vector<512x512xf32>
    %sub3A_1021 = arith.subf %add3A_998, %sub3A_1020 : vector<512x512xf32>
    %add3A_1022 = arith.constant 9.99999974E-6 : f32
    %add3A_1023 = vector.broadcast %add3A_1022 : f32 to vector<512x1xf32>
    %add3A_1024 = arith.addf %div3A_1019, %add3A_1023 : vector<512x1xf32>
    %rsqrt3A_1025 = math.rsqrt %add3A_1024 : vector<512x1xf32>
    %mul3A_1026 = vector.broadcast %rsqrt3A_1025 : vector<512x1xf32> to vector<512x512xf32>
    %mul3A_1027 = arith.mulf %sub3A_1021, %mul3A_1026 : vector<512x512xf32>
    %mul3A_1028 = vector.broadcast %get3A_1001 : vector<1x512xf32> to vector<512x512xf32>
    %mul3A_1029 = arith.mulf %mul3A_1027, %mul3A_1028 : vector<512x512xf32>
    %add3A_1030 = vector.broadcast %get3A_1004 : vector<1x512xf32> to vector<512x512xf32>
    %add3A_1031 = arith.addf %mul3A_1029, %add3A_1030 : vector<512x512xf32>
    %get3A_1032 = arith.constant 0 : index
    %get3A_1033 = arith.constant 0 : index
    %get3A_1034 = vector.load %arg8[%get3A_1032, %get3A_1033] : memref<256x512xf32, #tpu.memory_space<vmem>>, vector<256x512xf32>
    %convert_element_type3A_1035 = arith.truncf %add3A_1031 : vector<512x512xf32> to vector<512x512xbf16>
    %convert_element_type3A_1036 = arith.truncf %get3A_1034 : vector<256x512xf32> to vector<256x512xbf16>
    %dot_general3A_1037 = arith.constant dense<0.000000e+00> : vector<512x256xf32>
    %dot_general3A_1038 = tpu.matmul %convert_element_type3A_1035, %convert_element_type3A_1036, %dot_general3A_1037 {dimension_numbers = #tpu.dot_dimension_numbers<[1], [1], [0], [0], [0, 0, 1, 0], [], []>, transpose_lhs_hint = false} : vector<512x512xbf16>, vector<256x512xbf16>, vector<512x256xf32> -> vector<512x256xf32>
    %get3A_1039 = arith.constant 0 : index
    %get3A_1040 = arith.constant 0 : index
    %get3A_1041 = vector.load %arg9[%get3A_1039, %get3A_1040] : memref<1x256xf32, #tpu.memory_space<vmem>>, vector<1x256xf32>
    %add3A_1042 = vector.broadcast %get3A_1041 : vector<1x256xf32> to vector<512x256xf32>
    %add3A_1043 = arith.addf %dot_general3A_1038, %add3A_1042 : vector<512x256xf32>
    %max3A_1044 = arith.constant 0.000000e+00 : f32
    %max3A_1045 = vector.broadcast %max3A_1044 : f32 to vector<512x256xf32>
    %max3A_1046 = arith.maximumf %add3A_1043, %max3A_1045 : vector<512x256xf32>
    %get3A_1047 = arith.constant 0 : index
    %get3A_1048 = arith.constant 0 : index
    %get3A_1049 = vector.load %arg10[%get3A_1047, %get3A_1048] : memref<512x256xf32, #tpu.memory_space<vmem>>, vector<512x256xf32>
    %convert_element_type3A_1050 = arith.truncf %max3A_1046 : vector<512x256xf32> to vector<512x256xbf16>
    %convert_element_type3A_1051 = arith.truncf %get3A_1049 : vector<512x256xf32> to vector<512x256xbf16>
    %dot_general3A_1052 = arith.constant dense<0.000000e+00> : vector<512x512xf32>
    %dot_general3A_1053 = tpu.matmul %convert_element_type3A_1050, %convert_element_type3A_1051, %dot_general3A_1052 {dimension_numbers = #tpu.dot_dimension_numbers<[1], [1], [0], [0], [0, 0, 1, 0], [], []>, transpose_lhs_hint = false} : vector<512x256xbf16>, vector<512x256xbf16>, vector<512x512xf32> -> vector<512x512xf32>
    %get3A_1054 = arith.constant 0 : index
    %get3A_1055 = arith.constant 0 : index
    %get3A_1056 = vector.load %arg11[%get3A_1054, %get3A_1055] : memref<1x512xf32, #tpu.memory_space<vmem>>, vector<1x512xf32>
    %add3A_1057 = vector.broadcast %get3A_1056 : vector<1x512xf32> to vector<512x512xf32>
    %add3A_1058 = arith.addf %dot_general3A_1053, %add3A_1057 : vector<512x512xf32>
    %add3A_1059 = arith.addf %add3A_1031, %add3A_1058 : vector<512x512xf32>
    %get3A_1060 = arith.constant 0 : index
    %get3A_1061 = arith.constant 0 : index
    %get3A_1062 = vector.load %arg14[%get3A_1060, %get3A_1061] : memref<1x512xf32, #tpu.memory_space<vmem>>, vector<1x512xf32>
    %get3A_1063 = arith.constant 0 : index
    %get3A_1064 = arith.constant 0 : index
    %get3A_1065 = vector.load %arg15[%get3A_1063, %get3A_1064] : memref<1x512xf32, #tpu.memory_space<vmem>>, vector<1x512xf32>
    %reduce_sum3A_1066 = arith.constant dense<0.000000e+00> : vector<512xf32>
    %reduce_sum3A_1067 = vector.multi_reduction <add>, %add3A_1059, %reduce_sum3A_1066 [1] : vector<512x512xf32> to vector<512xf32>
    %broadcast_in_dim3A_1068 = vector.shape_cast %reduce_sum3A_1067 : vector<512xf32> to vector<512x1xf32>
    %div3A_1069 = arith.constant 5.120000e+02 : f32
    %div3A_1070 = vector.broadcast %div3A_1069 : f32 to vector<512x1xf32>
    %div3A_1071 = arith.divf %broadcast_in_dim3A_1068, %div3A_1070 : vector<512x1xf32>
    %sub3A_1072 = vector.broadcast %div3A_1071 : vector<512x1xf32> to vector<512x512xf32>
    %sub3A_1073 = arith.subf %add3A_1059, %sub3A_1072 : vector<512x512xf32>
    %integer_pow3A_1074 = arith.mulf %sub3A_1073, %sub3A_1073 : vector<512x512xf32>
    %reduce_sum3A_1075 = arith.constant dense<0.000000e+00> : vector<512xf32>
    %reduce_sum3A_1076 = vector.multi_reduction <add>, %integer_pow3A_1074, %reduce_sum3A_1075 [1] : vector<512x512xf32> to vector<512xf32>
    %broadcast_in_dim3A_1077 = vector.shape_cast %reduce_sum3A_1076 : vector<512xf32> to vector<512x1xf32>
    %div3A_1078 = arith.constant 5.120000e+02 : f32
    %div3A_1079 = vector.broadcast %div3A_1078 : f32 to vector<512x1xf32>
    %div3A_1080 = arith.divf %broadcast_in_dim3A_1077, %div3A_1079 : vector<512x1xf32>
    %sub3A_1081 = vector.broadcast %div3A_1071 : vector<512x1xf32> to vector<512x512xf32>
    %sub3A_1082 = arith.subf %add3A_1059, %sub3A_1081 : vector<512x512xf32>
    %add3A_1083 = arith.constant 9.99999974E-6 : f32
    %add3A_1084 = vector.broadcast %add3A_1083 : f32 to vector<512x1xf32>
    %add3A_1085 = arith.addf %div3A_1080, %add3A_1084 : vector<512x1xf32>
    %rsqrt3A_1086 = math.rsqrt %add3A_1085 : vector<512x1xf32>
    %mul3A_1087 = vector.broadcast %rsqrt3A_1086 : vector<512x1xf32> to vector<512x512xf32>
    %mul3A_1088 = arith.mulf %sub3A_1082, %mul3A_1087 : vector<512x512xf32>
    %mul3A_1089 = vector.broadcast %get3A_1062 : vector<1x512xf32> to vector<512x512xf32>
    %mul3A_1090 = arith.mulf %mul3A_1088, %mul3A_1089 : vector<512x512xf32>
    %add3A_1091 = vector.broadcast %get3A_1065 : vector<1x512xf32> to vector<512x512xf32>
    %add3A_1092 = arith.addf %mul3A_1090, %add3A_1091 : vector<512x512xf32>
    %convert_element_type3A_1093 = arith.truncf %add3A_1092 : vector<512x512xf32> to vector<512x512xbf16>
    %swap3A_1094 = arith.constant 1536 : index
    %swap3A_1095 = arith.constant 0 : index
    %swap3A_1096 = vector.load %arg16[%swap3A_1094, %swap3A_1095] : memref<2048x512xbf16, #tpu.memory_space<vmem>>, vector<512x512xbf16>
    tpu.vector_store %arg16[%swap3A_1094, %swap3A_1095], %convert_element_type3A_1093 {strides = array<i32>} : memref<2048x512xbf16, #tpu.memory_space<vmem>>, vector<512x512xbf16>,
    return
  }
  func.func @transform_0(%arg0: i32) -> (i32, i32) {
    %c0_i32 = arith.constant 0 : i32
    %c0_i32_0 = arith.constant 0 : i32
    %c0_i32_1 = arith.constant 0 : i32
    return %c0_i32, %c0_i32_0 : i32, i32
  }
  func.func @transform_1(%arg0: i32) -> (i32, i32) {
    %c0_i32 = arith.constant 0 : i32
    %c0_i32_0 = arith.constant 0 : i32
    %c0_i32_1 = arith.constant 0 : i32
    return %c0_i32, %c0_i32_0 : i32, i32
  }
  func.func @transform_2(%arg0: i32) -> (i32, i32) {
    %c0_i32 = arith.constant 0 : i32
    %c0_i32_0 = arith.constant 0 : i32
    %c0_i32_1 = arith.constant 0 : i32
    return %c0_i32, %c0_i32_0 : i32, i32
  }
  func.func @transform_3(%arg0: i32) -> (i32, i32) {
    %c0_i32 = arith.constant 0 : i32
    %c0_i32_0 = arith.constant 0 : i32
    %c0_i32_1 = arith.constant 0 : i32
    return %c0_i32, %c0_i32_0 : i32, i32
  }
  func.func @transform_4(%arg0: i32) -> (i32, i32) {
    %c0_i32 = arith.constant 0 : i32
    %c0_i32_0 = arith.constant 0 : i32
    %c0_i32_1 = arith.constant 0 : i32
    return %c0_i32, %c0_i32_0 : i32, i32
  }
  func.func @transform_5(%arg0: i32) -> (i32, i32) {
    %c0_i32 = arith.constant 0 : i32
    %c0_i32_0 = arith.constant 0 : i32
    %c0_i32_1 = arith.constant 0 : i32
    return %c0_i32, %c0_i32_0 : i32, i32
  }
  func.func @transform_6(%arg0: i32) -> (i32, i32) {
    %c0_i32 = arith.constant 0 : i32
    %c0_i32_0 = arith.constant 0 : i32
    %c0_i32_1 = arith.constant 0 : i32
    return %c0_i32, %c0_i32_0 : i32, i32
  }
  func.func @transform_7(%arg0: i32) -> (i32, i32) {
    %c0_i32 = arith.constant 0 : i32
    %c0_i32_0 = arith.constant 0 : i32
    %c0_i32_1 = arith.constant 0 : i32
    return %c0_i32, %c0_i32_0 : i32, i32
  }
  func.func @transform_8(%arg0: i32) -> (i32, i32) {
    %c0_i32 = arith.constant 0 : i32
    %c0_i32_0 = arith.constant 0 : i32
    %c0_i32_1 = arith.constant 0 : i32
    return %c0_i32, %c0_i32_0 : i32, i32
  }
  func.func @transform_9(%arg0: i32) -> (i32, i32) {
    %c0_i32 = arith.constant 0 : i32
    %c0_i32_0 = arith.constant 0 : i32
    %c0_i32_1 = arith.constant 0 : i32
    return %c0_i32, %c0_i32_0 : i32, i32
  }
  func.func @transform_10(%arg0: i32) -> (i32, i32) {
    %c0_i32 = arith.constant 0 : i32
    %c0_i32_0 = arith.constant 0 : i32
    %c0_i32_1 = arith.constant 0 : i32
    return %c0_i32, %c0_i32_0 : i32, i32
  }
  func.func @transform_11(%arg0: i32) -> (i32, i32) {
    %c0_i32 = arith.constant 0 : i32
    %c0_i32_0 = arith.constant 0 : i32
    %c0_i32_1 = arith.constant 0 : i32
    return %c0_i32, %c0_i32_0 : i32, i32
  }
  func.func @transform_12(%arg0: i32) -> (i32, i32) {
    %c0_i32 = arith.constant 0 : i32
    %c0_i32_0 = arith.constant 0 : i32
    %c0_i32_1 = arith.constant 0 : i32
    return %c0_i32, %c0_i32_0 : i32, i32
  }
  func.func @transform_13(%arg0: i32) -> (i32, i32) {
    %c0_i32 = arith.constant 0 : i32
    %c0_i32_0 = arith.constant 0 : i32
    %c0_i32_1 = arith.constant 0 : i32
    return %c0_i32, %c0_i32_0 : i32, i32
  }
  func.func @transform_14(%arg0: i32) -> (i32, i32) {
    %c0_i32 = arith.constant 0 : i32
    %c0_i32_0 = arith.constant 0 : i32
    %c0_i32_1 = arith.constant 0 : i32
    return %c0_i32, %c0_i32_0 : i32, i32
  }
  func.func @transform_15(%arg0: i32) -> (i32, i32) {
    %c0_i32 = arith.constant 0 : i32
    %c0_i32_0 = arith.constant 0 : i32
    %c0_i32_1 = arith.constant 0 : i32
    return %c0_i32, %c0_i32_0 : i32, i32
  }
}

</mosaic_0001>

<sc_bundles>
// kernel: kernel.6.cloned.1.call-start
scs
__scs_entry_jumppad:
0x0: {  	(pc) =	sbr.rel $0x88, $3  }
0x1: {  	(tag) =	ssettag $0x0;
	lr =	simm.s32 $0x1  }
0x2: {  	[smem:$0x3F8E] =	sst lr;
	_ =	strace $0xD0000000  }
0x3: {  	_ = 	snop  }
0x4: {  	_ = 	snop  }
0x5: {  	_ = 	snop  }
0x6: {  	_ = 	snop  }
0x7: {  	_ = 	snop  }
__scs_overlays_trampoline_lowered:
0x8: {  	[smem:$0x3F9D] =	sst s0  }
0x9: {  	[smem:$0x3F9E] =	sst s1  }
0xa: {  	[smem:$0x3F9F] =	sst s2  }
0xb: {  	[smem:$0x3FA0] =	sst s3  }
0xc: {  	[smem:$0x3FA1] =	sst s4  }
0xd: {  	[smem:$0x3FA2] =	sst s5  }
0xe: {  	[smem:$0x3FA3] =	sst s6  }
0xf: {  	[smem:$0x3FA4] =	sst s7  }
0x10: {  	[smem:$0x3FA5] =	sst s8  }
0x11: {  	[smem:$0x3FA6] =	sst s9;
	s0 =	simm.s32 @!p0 $0x0  }
0x12: {  	s1 =	sld [smem:$0x3F8C];
	s0 =	simm.s32 @p0 $0x1  }
0x13: {  	[smem:$0x3FA7] =	sst s0;
	s0 =	simm.s32 @!p1 $0x0  }
0x14: {  	s2 =	sld [smem:$0x3F8B];
	s0 =	simm.s32 @p1 $0x1  }
0x15: {  	[smem:$0x3FA8] =	sst s0;
	s0 =	simm.s32 @!p2 $0x0  }
0x16: {  	s3 =	sld [smem:$0x3FDB];
	s0 =	simm.s32 @p2 $0x1  }
0x17: {  	s4 =	simm.s32 $0x1BF5;
	[smem:$0x3FAA] =	sst s0  }
0x18: {  	s0 =	sld [smem:$0x3F8D];
	_ =	swait.ge [sflag:s4], $0x0  }
0x19: {  	s7 =	sld [smem:$0x3F8E]  }
0x1a: {  	s8 =	sadd.s32 $0xFFFFE003, lr  }
0x1b: {  	s9 =	sadd.s32 $0xFFFFFEF7, lr;
	s5 =	simm.s32 $0xFFFFFFFF;
	p2 =	slt.u32 s8, $0xFFFFF086  }
0x1c: {  	p1 =	slt.u32 s9, $0xF7A;
	s5 =	simm.s32 @!p2 $0x0  }
0x1d: {  	s5 =	simm.s32 @p1 $0x1;
	p0 =	seq.s32 s7, s2  }
0x1e: {  	s7 =	smul.u32 @!p0 $0xF7A, s2;
	p2 =	seq.s32 @!p0 s5, $0x0  }
0x1f: {  	s9 =	smul.u32 $0xF7A, s1;
	s8 =	simm.s32 @!p0 $0x1BF5;
	p2 =	por !p2, p0  }
0x20: {  	[sflag:s8] =	ssyncset.s32 @!p0 $0xFFFFF086;
	s6 =	sadd.s32 @!p0 s3, s7;
	s7 =	simm.s32 @!p0 $0x108  }
0x21: {  	s3 =	sadd.s32 s3, s9;
	s6 =	sadd.s32 @!p0 $0x88, s6;
	s7 =	simm.s32 @p2 $0x1082  }
0x22: {  	[simem:s7], [sflag:s8] =	dma.local @!p0 [hbm:s6], $0xF7A  }
0x23: {  	s9 =	sor.u32 $0xD0000000, s2;
	s6 =	simm.s32 $0x108;
	_ =	swait.ge @!p0 [sflag:s8], $0x0  }
0x24: {  	s3 =	sadd.s32 $0x88, s3;
	s6 =	simm.s32 @!p1 $0x1082;
	[sflag:s4] =	ssyncset.s32 $0xFFFFF086  }
0x25: {  	[simem:s6], [sflag:s4] =	dma.local [hbm:s3], $0xF7A  }
0x26: {  	[smem:$0x3F8E] =	sst s1;
	(tag) =	ssettag s2;
	_ =	strace s9  }
0x27: {  	s1 =	sld [smem:$0x3F9E]  }
0x28: {  	s2 =	sld [smem:$0x3F9F]  }
0x29: {  	s4 =	sld [smem:$0x3FA1]  }
0x2a: {  	p0 =	seq.s32 s5, $0x0;
	s5 =	sld [smem:$0x3FA2]  }
0x2b: {  	s6 =	sld [smem:$0x3FA3]  }
0x2c: {  	s7 =	sld [smem:$0x3FA4]  }
0x2d: {  	s3 =	simm.s32 $0x108;
	s8 =	sld [smem:$0x3FA5]  }
0x2e: {  	s3 =	simm.s32 @!p0 $0x1082;
	s9 =	sld [smem:$0x3FA6]  }
0x2f: {  	lr =	sadd.s32 s0, s3;
	s0 =	sld [smem:$0x3F9D]  }
0x30: {  	s3 =	sld [smem:$0x3FA0]  }
0x31: {  	[smem:$0x3FA9] =	sst s10  }
0x32: {  	s10 =	sld [smem:$0x3FA7];
	_ =	sdelay $0x3  }
0x33: {  	p0 =	seq.s32 s10, $0x1;
	s10 =	sld [smem:$0x3FA9];
	_ =	sdelay $0x3  }
0x34: {  	[smem:$0x3FA9] =	sst s10  }
0x35: {  	s10 =	sld [smem:$0x3FA8];
	_ =	sdelay $0x3  }
0x36: {  	p1 =	seq.s32 s10, $0x1;
	s10 =	sld [smem:$0x3FA9];
	_ =	sdelay $0x3  }
0x37: {  	[smem:$0x3FA9] =	sst s10  }
0x38: {  	s10 =	sld [smem:$0x3FAA]  }
0x39: {  	_ = 	snop;
	(pc) =	sbr.ind lr, $3  }
0x3a: {  	_ = 	snop  }
0x3b: {  	_ = 	snop  }
0x3c: {  	p2 =	seq.s32 s10, $0x1;
	s10 =	sld [smem:$0x3FA9]  }
0x3d: {  	_ =	shalt  }
0x3e: {  	_ =	shalt  }
0x3f: {  	_ =	shalt  }
0x40: {  	_ =	shalt  }
0x41: {  	_ =	shalt  }
0x42: {  	_ =	shalt  }
0x43: {  	_ =	shalt  }
0x44: {  	_ =	shalt  }
0x45: {  	_ =	shalt  }
0x46: {  	_ =	shalt  }
0x47: {  	_ =	shalt  }
0x48: {  	_ =	shalt  }
0x49: {  	_ =	shalt  }
0x4a: {  	_ =	shalt  }
0x4b: {  	_ =	shalt  }
0x4c: {  	_ =	shalt  }
0x4d: {  	_ =	shalt  }
0x4e: {  	_ =	shalt  }
0x4f: {  	_ =	shalt  }
0x50: {  	_ =	shalt  }
0x51: {  	_ =	shalt  }
0x52: {  	_ =	shalt  }
0x53: {  	_ =	shalt  }
0x54: {  	_ =	shalt  }
0x55: {  	_ =	shalt  }
0x56: {  	_ =	shalt  }
0x57: {  	_ =	shalt  }
0x58: {  	_ =	shalt  }
0x59: {  	_ =	shalt  }
0x5a: {  	_ =	shalt  }
0x5b: {  	_ =	shalt  }
0x5c: {  	_ =	shalt  }
0x5d: {  	_ =	shalt  }
0x5e: {  	_ =	shalt  }
0x5f: {  	_ =	shalt  }
0x60: {  	_ =	shalt  }
0x61: {  	_ =	shalt  }
0x62: {  	_ =	shalt  }
0x63: {  	_ =	shalt  }
0x64: {  	_ =	shalt  }
0x65: {  	_ =	shalt  }
0x66: {  	_ =	shalt  }
0x67: {  	_ =	shalt  }
0x68: {  	_ =	shalt  }
0x69: {  	_ =	shalt  }
0x6a: {  	_ =	shalt  }
0x6b: {  	_ =	shalt  }
0x6c: {  	_ =	shalt  }
0x6d: {  	_ =	shalt  }
0x6e: {  	_ =	shalt  }
0x6f: {  	_ =	shalt  }
0x70: {  	_ =	shalt  }
0x71: {  	_ =	shalt  }
0x72: {  	_ =	shalt  }
0x73: {  	_ =	shalt  }
0x74: {  	_ =	shalt  }
0x75: {  	_ =	shalt  }
0x76: {  	_ =	shalt  }
0x77: {  	_ =	shalt  }
0x78: {  	_ =	shalt  }
0x79: {  	_ =	shalt  }
0x7a: {  	_ =	shalt  }
0x7b: {  	_ =	shalt  }
0x7c: {  	_ =	shalt  }
0x7d: {  	_ =	shalt  }
0x7e: {  	_ =	shalt  }
0x7f: {  	_ =	shalt  }
0x80: {  	_ =	shalt  }
0x81: {  	_ =	shalt  }
0x82: {  	_ =	shalt  }
0x83: {  	_ =	shalt  }
0x84: {  	_ =	shalt  }
0x85: {  	_ =	shalt  }
0x86: {  	_ =	shalt  }
0x87: {  	_ =	shalt  }
.Lfunc_end0:
.L_simem_size_0:
called_computation_lowered:
.L_overlay_start_0:
0x88: {  	s2 =	sld [smem:$0x3FD9]  }
0x89: {  	s3 =	sld [smem:$0x3FFE];
	_ =	sdelay $0x1  }
0x8a: {  	s1 =	srdreg.scid  }
0x8b: {  	s0 =	sand.u32 $0x1, s1  }
0x8c: {  	s17 =	sshll.u32 s0, $0xA;
	s2 =	sadd.s32 s3, s2  }
0x8d: {  	s2 =	sadd.s32 s2, s17  }
0x8e: {  	[smem:$0x3FB5] =	sst s2  }
0x8f: {  	_ = 	snop  }
0x90: {  	s2 =	sld [smem:$0x3FC7];
	(tm) =	ssettm $0x1  }
0x91: {  	s18 =	sld [smem:$0x3FFB];
	_ =	sdelay $0x3  }
0x92: {  	_ =	strace s18  }
0x93: {  	s3 =	sld [smem:$0x3FFC];
	_ =	sdelay $0x3  }
0x94: {  	_ =	strace s3  }
0x95: {  	s3 =	sld [smem:$0x3FFD];
	_ =	sdelay $0x3  }
0x96: {  	_ =	strace s3  }
0x97: {  	_ =	strace $0x8FFFFFFF  }
0x98: {  	s19 =	sld [smem:$0x3FDB];
	_ =	sdelay $0x1  }
0x99: {  	s4 =	simm.s32 $_scs_section_size  }
0x9a: {  	s5 =	simm.s32 $_size__tile_overlayer_lowered;
	s6 =	simm.s32 $_tile_overlayer_lowered  }
0x9b: {  	s22 =	simm.s32 $0x1BFF;
	s21 =	sshll.u32 s6, $0x1;
	s3 =	sadd.s32 s4, s19  }
0x9c: {  	s7 =	simm.s32 $0x0;
	s20 =	sshll.u32 s5, $0x1;
	s5 =	sadd.s32 s21, s3  }
0x9d: {  	[timem:s7], [sflag:s22] =	dma.local [hbm:s5], s20  }
0x9e: {  	_ =	swait.ge [sflag:s22], s20  }
0x9f: {  	s4 =	ssub.s32 $0x0, s20;
	[sflag:s22] =	ssyncset.done $0x0  }
0xa0: {  	[sflag:s22] =	ssyncadd.s32 s4;
	_ =	sdelay $0x1  }
0xa1: {  	s23 =	simm.s32 $0x1B8B  }
0xa2: {  	_ =	swait.ge [sflag:s23], $0x1  }
0xa3: {  	[sflag:s23] =	ssyncset.done $0x0  }
0xa4: {  	s25 =	simm.s32 $0x1B8E;
	s24 =	sld [smem:$0x3FFE];
	[sflag:s23] =	ssyncadd.s32 $0xFFFFFFFF  }
0xa5: {  	s26 =	simm.s32 $execute0_lowered;
	[smem:$0x3FD2] =	sst s25  }
0xa6: {  	s5 =	sshll.u32 s26, $0x1;
	_ =	strace $0x80000046;
	[dreg:$0x1] =	wrdreg $0xFFFFFFFF  }
0xa7: {  	s28 =	simm.s32 $_size_execute0_lowered;
	s3 =	sadd.s32 s3, s5;
	[dreg:$0x0] =	wrdreg $0x0  }
0xa8: {  	s5 =	sshll.u32 s28, $0x1;
	[dreg:$0x2] =	wrdreg s3  }
0xa9: {  	[dreg:$0x3] =	wrdreg s5  }
0xaa: {  	[dreg:$0x4] =	wrdreg $0xC0  }
0xab: {  	_ =	task [dreg:s7], $0x5FFFF  }
0xac: {  	[dreg:$0x1] =	wrdreg $0xFFFFFFFF  }
0xad: {  	[dreg:$0x0] =	wrdreg $0x60  }
0xae: {  	[dreg:$0x2] =	wrdreg s24  }
0xaf: {  	[dreg:$0x3] =	wrdreg s2  }
0xb0: {  	[dreg:$0x4] =	wrdreg $0x9  }
0xb1: {  	_ =	task.clear_ibuf [dreg:s7], $0x5FFFF;
	_ =	strace $0x90000046  }
0xb2: {  	s29 =	simm.s32 $0x9;
	_ =	strace $0x80000048  }
0xb3: {  	_ =	swait.ge [sflag:s29], $0x1  }
0xb4: {  	[sflag:s29] =	ssyncadd.s32 $0xFFFFFFFF  }
0xb5: {  	_ =	strace $0x90000048  }
0xb6: {  	_ =	sfence  }
0xb7: {  	s30 =	sld [smem:$0x0];
	_ =	sdelay $0x2  }
0xb8: {  	s31 =	sshll.u32 s1, $0xD;
	s1 =	sshrl.u32 s1, $0x2  }
0xb9: {  	s3 =	sand.u32 $0x4000, s31;
	s1 =	sadd.s32 s1, s30  }
0xba: {  	s0 =	sor.u32 s3, s0;
	s1 =	sshll.u32 s1, $0x11  }
0xbb: {  	s0 =	sor.u32 s1, s0  }
0xbc: {  	s0 =	sadd.s32 $0x8F2B, s0  }
0xbd: {  	[sflag:s0] =	ssyncadd.remote.s32 $0x1  }
0xbe: {  	_ =	sfence.sel $0xFFFF  }
0xbf: {  	[dreg:$0x0] =	wrdreg $0xFFFFFFFF;
	(pc) =	sbr.abs _section_cstart, $3  }
0xc0: {  	[dreg:$0x1] =	wrdreg $0xFFFFFFFF  }
0xc1: {  	_ =	task.clear_ibuf [dreg:s7], $0x2FFFF;
	_ =	strace $0x9FFFFFFF  }
0xc2: {  	(tm) =	ssettm $0x7FFFFFFF  }
0xc3: {  	_ =	shalt  }
tec
execute0_lowered:
.L_overlay_start_1:
0x0: {  	(tag) =	ssettag $0x1  }
0x1: {  	s4 =	rddreg [dreg:$0x0]  }
0x2: {  	s2 =	rddreg [dreg:$0x1];
	s3 =	srdreg.scid  }
0x3: {  	s0 =	rddreg [dreg:$0x2];
	s1 =	stileid.u32  }
0x4: {  	s9 =	simm.s32 $0x80;
	s10 =	simm.s32 $0x880;
	s11 =	simm.s32 $0x1080  }
0x5: {  	s12 =	simm.s32 $0x1880;
	s13 =	simm.s32 $0x2080;
	s14 =	simm.s32 $0x2880  }
0x6: {  	s15 =	simm.s32 $0x3080;
	s16 =	simm.s32 $0x3880;
	s17 =	simm.s32 $0x4080  }
0x7: {  	s18 =	simm.s32 $0x4880;
	s19 =	simm.s32 $0x5080;
	s20 =	simm.s32 $0x5880  }
0x8: {  	s21 =	simm.s32 $0x6080;
	s22 =	simm.s32 $0x6880;
	s23 =	simm.s32 $0x7080  }
0x9: {  	s24 =	simm.s32 $0x7880;
	s25 =	simm.s32 $0x1;
	s5 =	sand.u32 $0x1, s3  }
0xa: {  	s3 =	simm.s32 $0x0;
	s6 =	sshll.u32 s1, $0x7;
	s7 =	sshll.u32 s5, $0x6  }
0xb: {  	[smem:$0x7FF] =	sst s3;
	s5 =	ssub.s32 $0x2, s5;
	s6 =	sor.u32 s7, s6  }
0xc: {  	_ =	strace $0x80000047;
	s8 =	sshrl.u32 s5, $0x1;
	s7 =	sshrl.u32 s6, $0x3  }
0xd: {  	v2 =	vlaneseq.u32;
	s6 =	sshll.u32 s6, $0x6;
	s8 =	ssub.s32 s5, s8;
	s7 =	sadd.s32 s7, s4  }
0xe: {  	vm0 =	vmmov $0xffff;
	v1 =	vshrl.u32 v2, $0x3;
	s5 =	sadd.s32 $0x100, s2;
	s6 =	sadd.s32 s6, s4;
	s4 =	sadd.s32 $0x3600, s7  }
0xf: {  	v0 =	vand.u32 $0x7, v2;
	v2 =	vor.u32 $0x8, v2;
	v1 =	vmul.u32 $0x8, v1;
	s6 =	sadd.s32 $0x3800, s6;
	s7 =	smax.u32 s8, $0x1;
	s8 =	simm.s32 $0x2  }
.LBB2_1:
0x10: {  	[tilespmem:s3], [sflag:$0x2] =	stream.linear.gather [hbm4b:s4+s3], $0x40, $0x38;
	[tilespmem:$0x8080] =	vst v63  }
0x11: {  	_ =	swait.ge [sflag:s8], $0x40  }
0x12: {  	[sflag:s8] =	ssyncset.done $0x0  }
0x13: {  	[sflag:s8] =	ssyncadd.s32 $0xFFFFFFC0  }
0x14: {  	v3 =	vld [tilespmem:$0x0];
	_ =	sdelay $0x4  }
0x15: {  	v4 =	vshll.u32 v3, $0x2  }
0x16: {  	v3 =	vand.u32 $0x7, v3;
	v4 =	vand.u32 $0xFFFFFFE0, v4  }
0x17: {  	v3 =	vor.u32 v3, v4  }
0x18: {  	v4 =	vperm.xlane v3, v0;
	_ =	sdelay $0x1  }
0x19: {  	v4 =	vadd.s32 v1, v4;
	_ =	sdelay $0x1  }
0x1a: {  	v3 =	vperm.xlane v3, v2;
	_ =	sdelay $0x1  }
0x1b: {  	v3 =	vadd.s32 v1, v3  }
0x1c: {  	[tilespmem:s9], [sflag:$0x1] =	stream.indirect_vreg.gather [hbm4b:s2+s3], $0x80, v4, vm0, $0xb8;
	[tilespmem:$0x8080] =	vst v63  }
0x1d: {  	_ = 	snop  }
0x1e: {  	[tilespmem:s10], [sflag:$0x1] =	stream.indirect_vreg.gather [hbm4b:s5+s3], $0x80, v4, vm0, $0xb8;
	[tilespmem:$0x8080] =	vst v63  }
0x1f: {  	_ = 	snop  }
0x20: {  	[tilespmem:s11], [sflag:$0x1] =	stream.indirect_vreg.gather [hbm4b:s2+s3], $0x80, v3, vm0, $0xb8;
	[tilespmem:$0x8080] =	vst v63  }
0x21: {  	_ = 	snop  }
0x22: {  	[tilespmem:s12], [sflag:$0x1] =	stream.indirect_vreg.gather [hbm4b:s5+s3], $0x80, v3, vm0, $0xb8;
	[tilespmem:$0x8080] =	vst v63  }
0x23: {  	v3 =	vld [tilespmem:$0x10];
	_ =	sdelay $0x4  }
0x24: {  	v61 =	vshll.u32 v3, $0x2  }
0x25: {  	v3 =	vand.u32 $0x7, v3;
	v4 =	vand.u32 $0xFFFFFFE0, v61  }
0x26: {  	v3 =	vor.u32 v3, v4  }
0x27: {  	v4 =	vperm.xlane v3, v0;
	_ =	sdelay $0x1  }
0x28: {  	v4 =	vadd.s32 v1, v4;
	_ =	sdelay $0x1  }
0x29: {  	v3 =	vperm.xlane v3, v2;
	_ =	sdelay $0x1  }
0x2a: {  	v3 =	vadd.s32 v1, v3  }
0x2b: {  	[tilespmem:s13], [sflag:$0x1] =	stream.indirect_vreg.gather [hbm4b:s2+s3], $0x80, v4, vm0, $0xb8;
	[tilespmem:$0x8080] =	vst v63  }
0x2c: {  	_ = 	snop  }
0x2d: {  	[tilespmem:s14], [sflag:$0x1] =	stream.indirect_vreg.gather [hbm4b:s5+s3], $0x80, v4, vm0, $0xb8;
	[tilespmem:$0x8080] =	vst v63  }
0x2e: {  	_ = 	snop  }
0x2f: {  	[tilespmem:s15], [sflag:$0x1] =	stream.indirect_vreg.gather [hbm4b:s2+s3], $0x80, v3, vm0, $0xb8;
	[tilespmem:$0x8080] =	vst v63  }
0x30: {  	_ = 	snop  }
0x31: {  	[tilespmem:s16], [sflag:$0x1] =	stream.indirect_vreg.gather [hbm4b:s5+s3], $0x80, v3, vm0, $0xb8;
	[tilespmem:$0x8080] =	vst v63  }
0x32: {  	v3 =	vld [tilespmem:$0x20];
	_ =	sdelay $0x4  }
0x33: {  	v62 =	vshll.u32 v3, $0x2  }
0x34: {  	v3 =	vand.u32 $0x7, v3;
	v4 =	vand.u32 $0xFFFFFFE0, v62  }
0x35: {  	v3 =	vor.u32 v3, v4  }
0x36: {  	v4 =	vperm.xlane v3, v0;
	_ =	sdelay $0x1  }
0x37: {  	v4 =	vadd.s32 v1, v4;
	_ =	sdelay $0x1  }
0x38: {  	v3 =	vperm.xlane v3, v2;
	_ =	sdelay $0x1  }
0x39: {  	v3 =	vadd.s32 v1, v3  }
0x3a: {  	[tilespmem:s17], [sflag:$0x1] =	stream.indirect_vreg.gather [hbm4b:s2+s3], $0x80, v4, vm0, $0xb8;
	[tilespmem:$0x8080] =	vst v63  }
0x3b: {  	_ = 	snop  }
0x3c: {  	[tilespmem:s18], [sflag:$0x1] =	stream.indirect_vreg.gather [hbm4b:s5+s3], $0x80, v4, vm0, $0xb8;
	[tilespmem:$0x8080] =	vst v63  }
0x3d: {  	_ = 	snop  }
0x3e: {  	[tilespmem:s19], [sflag:$0x1] =	stream.indirect_vreg.gather [hbm4b:s2+s3], $0x80, v3, vm0, $0xb8;
	[tilespmem:$0x8080] =	vst v63  }
0x3f: {  	_ = 	snop  }
0x40: {  	[tilespmem:s20], [sflag:$0x1] =	stream.indirect_vreg.gather [hbm4b:s5+s3], $0x80, v3, vm0, $0xb8;
	[tilespmem:$0x8080] =	vst v63  }
0x41: {  	v3 =	vld [tilespmem:$0x30];
	_ =	sdelay $0x4  }
0x42: {  	v63 =	vshll.u32 v3, $0x2  }
0x43: {  	v3 =	vand.u32 $0x7, v3;
	v4 =	vand.u32 $0xFFFFFFE0, v63  }
0x44: {  	v3 =	vor.u32 v3, v4  }
0x45: {  	v4 =	vperm.xlane v3, v0;
	_ =	sdelay $0x1  }
0x46: {  	v4 =	vadd.s32 v1, v4;
	_ =	sdelay $0x1  }
0x47: {  	v3 =	vperm.xlane v3, v2;
	_ =	sdelay $0x1  }
0x48: {  	v3 =	vadd.s32 v1, v3  }
0x49: {  	[tilespmem:s21], [sflag:$0x1] =	stream.indirect_vreg.gather [hbm4b:s2+s3], $0x80, v4, vm0, $0xb8;
	[tilespmem:$0x8080] =	vst v63  }
0x4a: {  	_ = 	snop  }
0x4b: {  	[tilespmem:s22], [sflag:$0x1] =	stream.indirect_vreg.gather [hbm4b:s5+s3], $0x80, v4, vm0, $0xb8;
	[tilespmem:$0x8080] =	vst v63  }
0x4c: {  	_ = 	snop  }
0x4d: {  	[tilespmem:s23], [sflag:$0x1] =	stream.indirect_vreg.gather [hbm4b:s2+s3], $0x80, v3, vm0, $0xb8;
	[tilespmem:$0x8080] =	vst v63  }
0x4e: {  	_ = 	snop  }
0x4f: {  	[tilespmem:s24], [sflag:$0x1] =	stream.indirect_vreg.gather [hbm4b:s5+s3], $0x80, v3, vm0, $0xb8;
	[tilespmem:$0x8080] =	vst v63  }
0x50: {  	_ =	swait.ge [sflag:s25], $0x8000  }
0x51: {  	p0 =	sne.s32 s7, $0x1;
	[sflag:s25] =	ssyncset.done $0x0  }
.Ltmp0:
0x52: {  	[sflag:s25] =	ssyncadd.s32 $0xFFFF8000;
	(pc) =	sbr.rel @p0 .LBB2_1-.Ltmp0, $4  }
0x53: {  	[hbm4b:s6+s3] =	stream.linear.scatter [tilespmem:s9], [sflag:$0x2], $0x8000, $0x38;
	[tilespmem:$0x8080] =	vst v63  }
0x54: {  	_ =	swait.ge [sflag:s8], $0x8000  }
0x55: {  	[sflag:s8] =	ssyncset.done $0x0  }
0x56: {  	s7 =	sadd.s32 $0xFFFFFFFF, s7;
	[sflag:s8] =	ssyncadd.s32 $0xFFFF8000  }
0x57: {  	_ =	sfence.sel $0x180000  }
0x58: {  	[bflag:$0x0] =	sbarrier.arrive $0xFFFF  }
0x59: {  	p0 =	sne.s32 s1, $0x0;
	_ =	strace $0x90000047  }
0x5a: {  	s0 =	sadd.s32 @!p0 $0x100000, s0;
	[bflag:$0x2] =	sbarrier.arrive $0xFFFF  }
0x5b: {  	[sflag:s0] =	ssyncadd.tile.s32 @!p0 $0x1;
	_ =	shalt  }
.Lfunc_end2:
_tile_overlayer_lowered:
.L_overlay_start_2:
0x5c: {  	(tag) =	ssettag $0x2  }
0x5d: {  	s0 =	rddreg [dreg:$0x0];
	s2 =	stileid.u32  }
0x5e: {  	s1 =	rddreg [dreg:$0x1];
	p0 =	sne.s32 s2, $0x0  }
0x5f: {  	s3 =	rddreg [dreg:$0x2];
	[bflag:$0x3] =	sbarrier.arrive $0xFFFF;
	s2 =	simm.s32 @!p0 $0x1C02  }
0x60: {  	[timem:s3], [sflag:s2] =	dma.local @!p0 [hbm:s0], s1  }
0x61: {  	s0 =	simm.s32 @!p0 $0x2  }
0x62: {  	_ =	swait.ge @!p0 [sflag:s0], s1  }
0x63: {  	s1 =	ssub.s32 @!p0 $0x0, s1;
	[sflag:s0] =	ssyncset.done @!p0 $0x0  }
0x64: {  	[sflag:s0] =	ssyncadd.s32 @!p0 s1  }
0x65: {  	[bflag:$0x3] =	sbarrier.arrive $0xFFFF  }
0x66: {  	_ =	shalt  }

// kernel: kernel.9.cloned.1.call-start
scs
__scs_entry_jumppad:
0x0: {  	(pc) =	sbr.rel $0x88, $3  }
0x1: {  	(tag) =	ssettag $0x0;
	lr =	simm.s32 $0x1  }
0x2: {  	[smem:$0x3F8E] =	sst lr;
	_ =	strace $0xD0000000  }
0x3: {  	_ = 	snop  }
0x4: {  	_ = 	snop  }
0x5: {  	_ = 	snop  }
0x6: {  	_ = 	snop  }
0x7: {  	_ = 	snop  }
__scs_overlays_trampoline_lowered:
0x8: {  	[smem:$0x3F9D] =	sst s0  }
0x9: {  	[smem:$0x3F9E] =	sst s1  }
0xa: {  	[smem:$0x3F9F] =	sst s2  }
0xb: {  	[smem:$0x3FA0] =	sst s3  }
0xc: {  	[smem:$0x3FA1] =	sst s4  }
0xd: {  	[smem:$0x3FA2] =	sst s5  }
0xe: {  	[smem:$0x3FA3] =	sst s6  }
0xf: {  	[smem:$0x3FA4] =	sst s7  }
0x10: {  	[smem:$0x3FA5] =	sst s8  }
0x11: {  	[smem:$0x3FA6] =	sst s9;
	s0 =	simm.s32 @!p0 $0x0  }
0x12: {  	s1 =	sld [smem:$0x3F8C];
	s0 =	simm.s32 @p0 $0x1  }
0x13: {  	[smem:$0x3FA7] =	sst s0;
	s0 =	simm.s32 @!p1 $0x0  }
0x14: {  	s2 =	sld [smem:$0x3F8B];
	s0 =	simm.s32 @p1 $0x1  }
0x15: {  	[smem:$0x3FA8] =	sst s0;
	s0 =	simm.s32 @!p2 $0x0  }
0x16: {  	s3 =	sld [smem:$0x3FDB];
	s0 =	simm.s32 @p2 $0x1  }
0x17: {  	s4 =	simm.s32 $0x1BF5;
	[smem:$0x3FAA] =	sst s0  }
0x18: {  	s0 =	sld [smem:$0x3F8D];
	_ =	swait.ge [sflag:s4], $0x0  }
0x19: {  	s7 =	sld [smem:$0x3F8E]  }
0x1a: {  	s8 =	sadd.s32 $0xFFFFE003, lr  }
0x1b: {  	s9 =	sadd.s32 $0xFFFFFEF7, lr;
	s5 =	simm.s32 $0xFFFFFFFF;
	p2 =	slt.u32 s8, $0xFFFFF086  }
0x1c: {  	p1 =	slt.u32 s9, $0xF7A;
	s5 =	simm.s32 @!p2 $0x0  }
0x1d: {  	s5 =	simm.s32 @p1 $0x1;
	p0 =	seq.s32 s7, s2  }
0x1e: {  	s7 =	smul.u32 @!p0 $0xF7A, s2;
	p2 =	seq.s32 @!p0 s5, $0x0  }
0x1f: {  	s9 =	smul.u32 $0xF7A, s1;
	s8 =	simm.s32 @!p0 $0x1BF5;
	p2 =	por !p2, p0  }
0x20: {  	[sflag:s8] =	ssyncset.s32 @!p0 $0xFFFFF086;
	s6 =	sadd.s32 @!p0 s3, s7;
	s7 =	simm.s32 @!p0 $0x108  }
0x21: {  	s3 =	sadd.s32 s3, s9;
	s6 =	sadd.s32 @!p0 $0x88, s6;
	s7 =	simm.s32 @p2 $0x1082  }
0x22: {  	[simem:s7], [sflag:s8] =	dma.local @!p0 [hbm:s6], $0xF7A  }
0x23: {  	s9 =	sor.u32 $0xD0000000, s2;
	s6 =	simm.s32 $0x108;
	_ =	swait.ge @!p0 [sflag:s8], $0x0  }
0x24: {  	s3 =	sadd.s32 $0x88, s3;
	s6 =	simm.s32 @!p1 $0x1082;
	[sflag:s4] =	ssyncset.s32 $0xFFFFF086  }
0x25: {  	[simem:s6], [sflag:s4] =	dma.local [hbm:s3], $0xF7A  }
0x26: {  	[smem:$0x3F8E] =	sst s1;
	(tag) =	ssettag s2;
	_ =	strace s9  }
0x27: {  	s1 =	sld [smem:$0x3F9E]  }
0x28: {  	s2 =	sld [smem:$0x3F9F]  }
0x29: {  	s4 =	sld [smem:$0x3FA1]  }
0x2a: {  	p0 =	seq.s32 s5, $0x0;
	s5 =	sld [smem:$0x3FA2]  }
0x2b: {  	s6 =	sld [smem:$0x3FA3]  }
0x2c: {  	s7 =	sld [smem:$0x3FA4]  }
0x2d: {  	s3 =	simm.s32 $0x108;
	s8 =	sld [smem:$0x3FA5]  }
0x2e: {  	s3 =	simm.s32 @!p0 $0x1082;
	s9 =	sld [smem:$0x3FA6]  }
0x2f: {  	lr =	sadd.s32 s0, s3;
	s0 =	sld [smem:$0x3F9D]  }
0x30: {  	s3 =	sld [smem:$0x3FA0]  }
0x31: {  	[smem:$0x3FA9] =	sst s10  }
0x32: {  	s10 =	sld [smem:$0x3FA7];
	_ =	sdelay $0x3  }
0x33: {  	p0 =	seq.s32 s10, $0x1;
	s10 =	sld [smem:$0x3FA9];
	_ =	sdelay $0x3  }
0x34: {  	[smem:$0x3FA9] =	sst s10  }
0x35: {  	s10 =	sld [smem:$0x3FA8];
	_ =	sdelay $0x3  }
0x36: {  	p1 =	seq.s32 s10, $0x1;
	s10 =	sld [smem:$0x3FA9];
	_ =	sdelay $0x3  }
0x37: {  	[smem:$0x3FA9] =	sst s10  }
0x38: {  	s10 =	sld [smem:$0x3FAA]  }
0x39: {  	_ = 	snop;
	(pc) =	sbr.ind lr, $3  }
0x3a: {  	_ = 	snop  }
0x3b: {  	_ = 	snop  }
0x3c: {  	p2 =	seq.s32 s10, $0x1;
	s10 =	sld [smem:$0x3FA9]  }
0x3d: {  	_ =	shalt  }
0x3e: {  	_ =	shalt  }
0x3f: {  	_ =	shalt  }
0x40: {  	_ =	shalt  }
0x41: {  	_ =	shalt  }
0x42: {  	_ =	shalt  }
0x43: {  	_ =	shalt  }
0x44: {  	_ =	shalt  }
0x45: {  	_ =	shalt  }
0x46: {  	_ =	shalt  }
0x47: {  	_ =	shalt  }
0x48: {  	_ =	shalt  }
0x49: {  	_ =	shalt  }
0x4a: {  	_ =	shalt  }
0x4b: {  	_ =	shalt  }
0x4c: {  	_ =	shalt  }
0x4d: {  	_ =	shalt  }
0x4e: {  	_ =	shalt  }
0x4f: {  	_ =	shalt  }
0x50: {  	_ =	shalt  }
0x51: {  	_ =	shalt  }
0x52: {  	_ =	shalt  }
0x53: {  	_ =	shalt  }
0x54: {  	_ =	shalt  }
0x55: {  	_ =	shalt  }
0x56: {  	_ =	shalt  }
0x57: {  	_ =	shalt  }
0x58: {  	_ =	shalt  }
0x59: {  	_ =	shalt  }
0x5a: {  	_ =	shalt  }
0x5b: {  	_ =	shalt  }
0x5c: {  	_ =	shalt  }
0x5d: {  	_ =	shalt  }
0x5e: {  	_ =	shalt  }
0x5f: {  	_ =	shalt  }
0x60: {  	_ =	shalt  }
0x61: {  	_ =	shalt  }
0x62: {  	_ =	shalt  }
0x63: {  	_ =	shalt  }
0x64: {  	_ =	shalt  }
0x65: {  	_ =	shalt  }
0x66: {  	_ =	shalt  }
0x67: {  	_ =	shalt  }
0x68: {  	_ =	shalt  }
0x69: {  	_ =	shalt  }
0x6a: {  	_ =	shalt  }
0x6b: {  	_ =	shalt  }
0x6c: {  	_ =	shalt  }
0x6d: {  	_ =	shalt  }
0x6e: {  	_ =	shalt  }
0x6f: {  	_ =	shalt  }
0x70: {  	_ =	shalt  }
0x71: {  	_ =	shalt  }
0x72: {  	_ =	shalt  }
0x73: {  	_ =	shalt  }
0x74: {  	_ =	shalt  }
0x75: {  	_ =	shalt  }
0x76: {  	_ =	shalt  }
0x77: {  	_ =	shalt  }
0x78: {  	_ =	shalt  }
0x79: {  	_ =	shalt  }
0x7a: {  	_ =	shalt  }
0x7b: {  	_ =	shalt  }
0x7c: {  	_ =	shalt  }
0x7d: {  	_ =	shalt  }
0x7e: {  	_ =	shalt  }
0x7f: {  	_ =	shalt  }
0x80: {  	_ =	shalt  }
0x81: {  	_ =	shalt  }
0x82: {  	_ =	shalt  }
0x83: {  	_ =	shalt  }
0x84: {  	_ =	shalt  }
0x85: {  	_ =	shalt  }
0x86: {  	_ =	shalt  }
0x87: {  	_ =	shalt  }
.Lfunc_end0:
.L_simem_size_0:
called_computation.1_lowered:
.L_overlay_start_0:
0x88: {  	s2 =	sld [smem:$0x3FD9]  }
0x89: {  	s3 =	sld [smem:$0x3FFE];
	_ =	sdelay $0x1  }
0x8a: {  	s1 =	srdreg.scid  }
0x8b: {  	s0 =	sand.u32 $0x1, s1  }
0x8c: {  	s15 =	sshll.u32 s0, $0xA;
	s2 =	sadd.s32 s3, s2  }
0x8d: {  	s2 =	sadd.s32 s2, s15  }
0x8e: {  	[smem:$0x3FB5] =	sst s2  }
0x8f: {  	_ = 	snop  }
0x90: {  	s4 =	sld [smem:$0x3FD0];
	_ =	sdelay $0x1  }
0x91: {  	s2 =	sld [smem:$0x3FB8]  }
0x92: {  	s5 =	simm.s32 $0xB;
	s6 =	simm.s32 $0x10;
	s16 =	sld [smem:$0x3FB7]  }
0x93: {  	[smem:s6], [sflag:s5] =	dma.local [hbm:s4], $0x1  }
0x94: {  	_ =	swait.eq [sflag:s5], $0x1  }
0x95: {  	[sflag:s5] =	ssyncset.done $0x0  }
0x96: {  	[sflag:s5] =	ssyncadd.s32 $0xFFFFFFFF  }
0x97: {  	s17 =	sld [smem:$0x10];
	(tm) =	ssettm $0x1  }
0x98: {  	s18 =	sld [smem:$0x3FFB];
	_ =	sdelay $0x3  }
0x99: {  	_ =	strace s18  }
0x9a: {  	s4 =	sld [smem:$0x3FFC];
	_ =	sdelay $0x3  }
0x9b: {  	_ =	strace s4  }
0x9c: {  	s4 =	sld [smem:$0x3FFD];
	_ =	sdelay $0x3  }
0x9d: {  	_ =	strace s4  }
0x9e: {  	_ =	strace $0x8FFFFFFF  }
0x9f: {  	s19 =	sld [smem:$0x3FDB];
	_ =	sdelay $0x1  }
0xa0: {  	s20 =	simm.s32 $_scs_section_size  }
0xa1: {  	s7 =	simm.s32 $_size__tile_overlayer_lowered;
	s8 =	simm.s32 $_tile_overlayer_lowered  }
0xa2: {  	s9 =	simm.s32 $0x1BFF;
	s21 =	sshll.u32 s8, $0x1;
	s6 =	sadd.s32 s20, s19  }
0xa3: {  	s22 =	simm.s32 $0x0;
	s7 =	sshll.u32 s7, $0x1;
	s8 =	sadd.s32 s21, s6  }
0xa4: {  	[timem:s22], [sflag:s9] =	dma.local [hbm:s8], s7  }
0xa5: {  	_ =	swait.ge [sflag:s9], s7  }
0xa6: {  	s7 =	ssub.s32 $0x0, s7;
	[sflag:s9] =	ssyncset.done $0x0  }
0xa7: {  	[sflag:s9] =	ssyncadd.s32 s7;
	_ =	sdelay $0x1  }
0xa8: {  	s23 =	simm.s32 $0x1B8B  }
0xa9: {  	_ =	swait.ge [sflag:s23], $0x1  }
0xaa: {  	[sflag:s23] =	ssyncset.done $0x0  }
0xab: {  	[sflag:s23] =	ssyncadd.s32 $0xFFFFFFFF  }
0xac: {  	s7 =	sld [smem:$0x0]  }
0xad: {  	s8 =	sand.u32 $0xFFFFFFFE, s1  }
0xae: {  	p0 =	sne.s32 s1, s8  }
0xaf: {  	s8 =	sshll.u32 @p0 s8, $0xE  }
0xb0: {  	s8 =	sadd.s32 @p0 $0x11B8D, s8;
	s9 =	sshll.u32 @p0 s7, $0x11  }
0xb1: {  	s8 =	sor.u32 @p0 s9, s8  }
0xb2: {  	[sflag:s8] =	ssyncadd.remote.s32 @p0 $0x1;
	_ =	sdelay $0x1  }
0xb3: {  	s8 =	simm.s32 @p0 $0x1B8D  }
0xb4: {  	_ =	swait.eq @p0 [sflag:s8], $0x1  }
0xb5: {  	[sflag:s8] =	ssyncadd.s32 @p0 $0xFFFFFFFF  }
0xb6: {  	s9 =	sshll.u32 @!p0 s1, $0xE  }
0xb7: {  	s9 =	sor.u32 @!p0 $0x4000, s9;
	s8 =	simm.s32 @!p0 $0x1B8D  }
0xb8: {  	s7 =	sshll.u32 @!p0 s7, $0x11;
	s9 =	sadd.s32 @!p0 $0x11B8D, s9;
	_ =	swait.eq @!p0 [sflag:s8], $0x1  }
0xb9: {  	s7 =	sor.u32 @!p0 s7, s9;
	[sflag:s8] =	ssyncadd.s32 @!p0 $0xFFFFFFFF  }
0xba: {  	s25 =	simm.s32 $0x1B8E;
	s24 =	sld [smem:$0x3FFE];
	[sflag:s7] =	ssyncadd.remote.s32 @!p0 $0x1  }
0xbb: {  	s26 =	simm.s32 $execute0_lowered;
	[smem:$0x3FD2] =	sst s25  }
0xbc: {  	s8 =	sshll.u32 s26, $0x1;
	_ =	strace $0x80000049;
	[dreg:$0x1] =	wrdreg $0xFFFFFFFF  }
0xbd: {  	s28 =	simm.s32 $_size_execute0_lowered;
	s6 =	sadd.s32 s6, s8;
	[dreg:$0x0] =	wrdreg $0x0  }
0xbe: {  	s8 =	sshll.u32 s28, $0x1;
	[dreg:$0x2] =	wrdreg s6  }
0xbf: {  	[dreg:$0x3] =	wrdreg s8  }
0xc0: {  	[dreg:$0x4] =	wrdreg $0xC0  }
0xc1: {  	_ =	task [dreg:s22], $0x5FFFF  }
0xc2: {  	[dreg:$0x1] =	wrdreg $0xFFFFFFFF  }
0xc3: {  	[dreg:$0x0] =	wrdreg $0x60  }
0xc4: {  	[dreg:$0x2] =	wrdreg s24  }
0xc5: {  	[dreg:$0x3] =	wrdreg s2  }
0xc6: {  	[dreg:$0x4] =	wrdreg s16  }
0xc7: {  	[dreg:$0x5] =	wrdreg s17  }
0xc8: {  	[dreg:$0x6] =	wrdreg $0xA  }
0xc9: {  	_ =	task.clear_ibuf [dreg:s22], $0x7FFFF;
	_ =	strace $0x90000049  }
0xca: {  	s29 =	simm.s32 $0xA;
	_ =	strace $0x8000004B  }
0xcb: {  	_ =	swait.ge [sflag:s29], $0x1  }
0xcc: {  	[sflag:s29] =	ssyncadd.s32 $0xFFFFFFFF  }
0xcd: {  	_ =	strace $0x9000004B  }
0xce: {  	_ =	sfence  }
0xcf: {  	s30 =	sld [smem:$0x0];
	_ =	sdelay $0x2  }
0xd0: {  	s31 =	sshll.u32 s1, $0xD;
	s1 =	sshrl.u32 s1, $0x2  }
0xd1: {  	s3 =	sand.u32 $0x4000, s31;
	s1 =	sadd.s32 s1, s30  }
0xd2: {  	s0 =	sor.u32 s3, s0;
	s1 =	sshll.u32 s1, $0x11  }
0xd3: {  	s0 =	sor.u32 s1, s0  }
0xd4: {  	s0 =	sadd.s32 $0x8F2B, s0  }
0xd5: {  	[sflag:s0] =	ssyncadd.remote.s32 $0x1  }
0xd6: {  	_ =	sfence.sel $0xFFFF  }
0xd7: {  	[dreg:$0x0] =	wrdreg $0xFFFFFFFF;
	(pc) =	sbr.abs _section_cstart, $3  }
0xd8: {  	[dreg:$0x1] =	wrdreg $0xFFFFFFFF  }
0xd9: {  	_ =	task.clear_ibuf [dreg:s22], $0x2FFFF;
	_ =	strace $0x9FFFFFFF  }
0xda: {  	(tm) =	ssettm $0x7FFFFFFF  }
0xdb: {  	_ =	shalt  }
tec
execute0_lowered:
.L_overlay_start_1:
0x0: {  	(tag) =	ssettag $0x1  }
0x1: {  	s0 =	rddreg [dreg:$0x0]  }
0x2: {  	s1 =	rddreg [dreg:$0x1]  }
0x3: {  	s2 =	rddreg [dreg:$0x2]  }
0x4: {  	s7 =	rddreg [dreg:$0x3];
	s4 =	srdreg.scid  }
0x5: {  	s3 =	simm.s32 $0x0;
	s24 =	stileid.u32;
	s10 =	simm.s32 $0x3  }
0x6: {  	s11 =	simm.s32 $0x80;
	s12 =	simm.s32 $0x100;
	s13 =	simm.s32 $0x900  }
0x7: {  	s14 =	simm.s32 $0x1100;
	s15 =	simm.s32 $0x1900;
	s16 =	simm.s32 $0x2100  }
0x8: {  	s17 =	simm.s32 $0x2900;
	s18 =	simm.s32 $0x3100;
	s19 =	simm.s32 $0x3900  }
0x9: {  	s20 =	simm.s32 $0x4100;
	s21 =	simm.s32 $0x4900;
	s22 =	simm.s32 $0x5100  }
0xa: {  	s23 =	simm.s32 $0x5900;
	s28 =	simm.s32 $0x7900;
	s29 =	simm.s32 $0x40  }
0xb: {  	s30 =	simm.s32 $0x8100;
	s31 =	simm.s32 $0x1;
	[dreg:$0x5] =	wrdreg s2  }
0xc: {  	s4 =	sand.u32 $0x1, s4;
	[smem:$0x7FF] =	sst s3;
	s5 =	sshll.u32 s24, $0x7  }
0xd: {  	s24 =	simm.s32 $0x6100;
	s6 =	sshll.u32 s4, $0x6;
	s4 =	ssub.s32 $0x2, s4  }
0xe: {  	_ =	strace $0x8000004A;
	s5 =	sor.u32 s6, s5;
	s25 =	sshrl.u32 s4, $0x1  }
0xf: {  	s6 =	sshrl.u32 s5, $0x3;
	s8 =	sshll.u32 s5, $0x4;
	s9 =	ssub.s32 s4, s25  }
0x10: {  	s26 =	sshll.u32 s5, $0x6;
	s25 =	simm.s32 $0x6900;
	s6 =	sadd.s32 s6, s0  }
0x11: {  	v2 =	vlaneseq.u32;
	s0 =	sadd.s32 s8, s0;
	s7 =	sadd.s32 s7, s26;
	s9 =	smax.u32 s9, $0x1  }
0x12: {  	vm0 =	vmmov $0xffff;
	v1 =	vshrl.u32 v2, $0x3;
	s26 =	simm.s32 $0x7100;
	s4 =	sadd.s32 $0x23800, s6;
	s5 =	sadd.s32 $0x23A00, s6  }
0x13: {  	v0 =	vand.u32 $0x7, v2;
	v2 =	vor.u32 $0x8, v2;
	v1 =	vmul.u32 $0x8, v1;
	s6 =	sadd.s32 $0x100, s1;
	s8 =	sadd.s32 $0x23C00, s0;
	s0 =	simm.s32 $0x2  }
.LBB2_1:
0x14: {  	[tilespmem:s3], [sflag:$0x3] =	stream.linear.gather [hbm4b:s4+s3], $0x40, $0x38;
	[tilespmem:$0xA100] =	vst v63  }
0x15: {  	_ =	swait.ge [sflag:s10], $0x40  }
0x16: {  	[sflag:s10] =	ssyncset.done $0x0  }
0x17: {  	[sflag:s10] =	ssyncadd.s32 $0xFFFFFFC0  }
0x18: {  	[tilespmem:s11], [sflag:$0x3] =	stream.linear.gather [hbm4b:s5+s3], $0x40, $0x38;
	[tilespmem:$0xA100] =	vst v63  }
0x19: {  	_ =	swait.ge [sflag:s10], $0x40  }
0x1a: {  	[sflag:s10] =	ssyncset.done $0x0  }
0x1b: {  	[sflag:s10] =	ssyncadd.s32 $0xFFFFFFC0  }
0x1c: {  	v3 =	vld [tilespmem:$0x0];
	_ =	sdelay $0x4  }
0x1d: {  	v4 =	vshll.u32 v3, $0x2  }
0x1e: {  	v3 =	vand.u32 $0x7, v3;
	v4 =	vand.u32 $0xFFFFFFE0, v4  }
0x1f: {  	v3 =	vor.u32 v3, v4  }
0x20: {  	v4 =	vperm.xlane v3, v0;
	_ =	sdelay $0x1  }
0x21: {  	v4 =	vadd.s32 v1, v4;
	_ =	sdelay $0x1  }
0x22: {  	v3 =	vperm.xlane v3, v2;
	_ =	sdelay $0x1  }
0x23: {  	v3 =	vadd.s32 v1, v3  }
0x24: {  	[tilespmem:s12], [sflag:$0x1] =	stream.indirect_vreg.gather [hbm4b:s1+s3], $0x80, v4, vm0, $0xb8;
	[tilespmem:$0xA100] =	vst v63  }
0x25: {  	_ = 	snop  }
0x26: {  	[tilespmem:s13], [sflag:$0x1] =	stream.indirect_vreg.gather [hbm4b:s6+s3], $0x80, v4, vm0, $0xb8;
	[tilespmem:$0xA100] =	vst v63  }
0x27: {  	_ = 	snop  }
0x28: {  	[tilespmem:s14], [sflag:$0x1] =	stream.indirect_vreg.gather [hbm4b:s1+s3], $0x80, v3, vm0, $0xb8;
	[tilespmem:$0xA100] =	vst v63  }
0x29: {  	_ = 	snop  }
0x2a: {  	[tilespmem:s15], [sflag:$0x1] =	stream.indirect_vreg.gather [hbm4b:s6+s3], $0x80, v3, vm0, $0xb8;
	[tilespmem:$0xA100] =	vst v63  }
0x2b: {  	v3 =	vld [tilespmem:$0x10];
	_ =	sdelay $0x4  }
0x2c: {  	v61 =	vshll.u32 v3, $0x2  }
0x2d: {  	v3 =	vand.u32 $0x7, v3;
	v4 =	vand.u32 $0xFFFFFFE0, v61  }
0x2e: {  	v3 =	vor.u32 v3, v4  }
0x2f: {  	v4 =	vperm.xlane v3, v0;
	_ =	sdelay $0x1  }
0x30: {  	v4 =	vadd.s32 v1, v4;
	_ =	sdelay $0x1  }
0x31: {  	v3 =	vperm.xlane v3, v2;
	_ =	sdelay $0x1  }
0x32: {  	v3 =	vadd.s32 v1, v3  }
0x33: {  	[tilespmem:s16], [sflag:$0x1] =	stream.indirect_vreg.gather [hbm4b:s1+s3], $0x80, v4, vm0, $0xb8;
	[tilespmem:$0xA100] =	vst v63  }
0x34: {  	_ = 	snop  }
0x35: {  	[tilespmem:s17], [sflag:$0x1] =	stream.indirect_vreg.gather [hbm4b:s6+s3], $0x80, v4, vm0, $0xb8;
	[tilespmem:$0xA100] =	vst v63  }
0x36: {  	_ = 	snop  }
0x37: {  	[tilespmem:s18], [sflag:$0x1] =	stream.indirect_vreg.gather [hbm4b:s1+s3], $0x80, v3, vm0, $0xb8;
	[tilespmem:$0xA100] =	vst v63  }
0x38: {  	_ = 	snop  }
0x39: {  	[tilespmem:s19], [sflag:$0x1] =	stream.indirect_vreg.gather [hbm4b:s6+s3], $0x80, v3, vm0, $0xb8;
	[tilespmem:$0xA100] =	vst v63  }
0x3a: {  	v3 =	vld [tilespmem:$0x20];
	_ =	sdelay $0x4  }
0x3b: {  	v62 =	vshll.u32 v3, $0x2  }
0x3c: {  	v3 =	vand.u32 $0x7, v3;
	v4 =	vand.u32 $0xFFFFFFE0, v62  }
0x3d: {  	v3 =	vor.u32 v3, v4  }
0x3e: {  	v4 =	vperm.xlane v3, v0;
	_ =	sdelay $0x1  }
0x3f: {  	v4 =	vadd.s32 v1, v4;
	_ =	sdelay $0x1  }
0x40: {  	v3 =	vperm.xlane v3, v2;
	_ =	sdelay $0x1  }
0x41: {  	v3 =	vadd.s32 v1, v3  }
0x42: {  	[tilespmem:s20], [sflag:$0x1] =	stream.indirect_vreg.gather [hbm4b:s1+s3], $0x80, v4, vm0, $0xb8;
	[tilespmem:$0xA100] =	vst v63  }
0x43: {  	_ = 	snop  }
0x44: {  	[tilespmem:s21], [sflag:$0x1] =	stream.indirect_vreg.gather [hbm4b:s6+s3], $0x80, v4, vm0, $0xb8;
	[tilespmem:$0xA100] =	vst v63  }
0x45: {  	_ = 	snop  }
0x46: {  	[tilespmem:s22], [sflag:$0x1] =	stream.indirect_vreg.gather [hbm4b:s1+s3], $0x80, v3, vm0, $0xb8;
	[tilespmem:$0xA100] =	vst v63  }
0x47: {  	_ = 	snop  }
0x48: {  	[tilespmem:s23], [sflag:$0x1] =	stream.indirect_vreg.gather [hbm4b:s6+s3], $0x80, v3, vm0, $0xb8;
	[tilespmem:$0xA100] =	vst v63  }
0x49: {  	v3 =	vld [tilespmem:$0x30];
	_ =	sdelay $0x4  }
0x4a: {  	v63 =	vshll.u32 v3, $0x2  }
0x4b: {  	v3 =	vand.u32 $0x7, v3;
	v4 =	vand.u32 $0xFFFFFFE0, v63  }
0x4c: {  	v3 =	vor.u32 v3, v4  }
0x4d: {  	v4 =	vperm.xlane v3, v0;
	_ =	sdelay $0x1  }
0x4e: {  	v4 =	vadd.s32 v1, v4;
	_ =	sdelay $0x1  }
0x4f: {  	v3 =	vperm.xlane v3, v2;
	_ =	sdelay $0x1  }
0x50: {  	v3 =	vadd.s32 v1, v3  }
0x51: {  	[tilespmem:s24], [sflag:$0x1] =	stream.indirect_vreg.gather [hbm4b:s1+s3], $0x80, v4, vm0, $0xb8;
	[tilespmem:$0xA100] =	vst v63  }
0x52: {  	_ = 	snop  }
0x53: {  	[tilespmem:s25], [sflag:$0x1] =	stream.indirect_vreg.gather [hbm4b:s6+s3], $0x80, v4, vm0, $0xb8;
	[tilespmem:$0xA100] =	vst v63  }
0x54: {  	_ = 	snop  }
0x55: {  	[tilespmem:s26], [sflag:$0x1] =	stream.indirect_vreg.gather [hbm4b:s1+s3], $0x80, v3, vm0, $0xb8;
	[tilespmem:$0xA100] =	vst v63  }
0x56: {  	_ = 	snop  }
0x57: {  	[tilespmem:s28], [sflag:$0x1] =	stream.indirect_vreg.gather [hbm4b:s6+s3], $0x80, v3, vm0, $0xb8;
	[tilespmem:$0xA100] =	vst v63  }
0x58: {  	s2 =	rddreg [dreg:$0x5]  }
0x59: {  	[tilespmem:s30], [sflag:$0x2] =	stream.indirect.gather [hbm4b:s2+s29], $0x80, s11, s29, $0xb8;
	[tilespmem:$0xA100] =	vst v63  }
0x5a: {  	_ =	swait.ge [sflag:s31], $0x8000  }
0x5b: {  	[sflag:s31] =	ssyncset.done $0x0  }
0x5c: {  	[sflag:s31] =	ssyncadd.s32 $0xFFFF8000  }
0x5d: {  	[hbm4b:s7+s3] =	stream.linear.scatter [tilespmem:s12], [sflag:$0x3], $0x8000, $0x38;
	[tilespmem:$0xA100] =	vst v63  }
0x5e: {  	_ =	swait.ge [sflag:s10], $0x8000  }
0x5f: {  	[sflag:s10] =	ssyncset.done $0x0  }
0x60: {  	[sflag:s10] =	ssyncadd.s32 $0xFFFF8000  }
0x61: {  	_ =	swait.ge [sflag:s0], $0x2000  }
0x62: {  	p0 =	sne.s32 s9, $0x1;
	[sflag:s0] =	ssyncset.done $0x0  }
.Ltmp0:
0x63: {  	[sflag:s0] =	ssyncadd.s32 $0xFFFFE000;
	(pc) =	sbr.rel @p0 .LBB2_1-.Ltmp0, $4  }
0x64: {  	[hbm4b:s8+s3] =	stream.linear.scatter [tilespmem:s30], [sflag:$0x3], $0x2000, $0x38;
	[tilespmem:$0xA100] =	vst v63  }
0x65: {  	_ =	swait.ge [sflag:s10], $0x2000  }
0x66: {  	[sflag:s10] =	ssyncset.done $0x0  }
0x67: {  	s9 =	sadd.s32 $0xFFFFFFFF, s9;
	[sflag:s10] =	ssyncadd.s32 $0xFFFFE000  }
0x68: {  	_ =	sfence.sel $0x180000  }
0x69: {  	[bflag:$0x0] =	sbarrier.arrive $0xFFFF  }
0x6a: {  	_ =	strace $0x9000004A  }
0x6b: {  	s0 =	stileid.u32;
	[bflag:$0x2] =	sbarrier.arrive $0xFFFF  }
0x6c: {  	p0 =	sne.s32 s0, $0x0;
	s0 =	rddreg [dreg:$0x4]  }
0x6d: {  	s0 =	sadd.s32 @!p0 $0x100000, s0  }
0x6e: {  	[sflag:s0] =	ssyncadd.tile.s32 @!p0 $0x1;
	_ =	shalt  }
.Lfunc_end2:
_tile_overlayer_lowered:
.L_overlay_start_2:
0x6f: {  	(tag) =	ssettag $0x2  }
0x70: {  	s0 =	rddreg [dreg:$0x0];
	s2 =	stileid.u32  }
0x71: {  	s1 =	rddreg [dreg:$0x1];
	p0 =	sne.s32 s2, $0x0  }
0x72: {  	s3 =	rddreg [dreg:$0x2];
	[bflag:$0x3] =	sbarrier.arrive $0xFFFF;
	s2 =	simm.s32 @!p0 $0x1C03  }
0x73: {  	[timem:s3], [sflag:s2] =	dma.local @!p0 [hbm:s0], s1  }
0x74: {  	s0 =	simm.s32 @!p0 $0x3  }
0x75: {  	_ =	swait.ge @!p0 [sflag:s0], s1  }
0x76: {  	s1 =	ssub.s32 @!p0 $0x0, s1;
	[sflag:s0] =	ssyncset.done @!p0 $0x0  }
0x77: {  	[sflag:s0] =	ssyncadd.s32 @!p0 s1  }
0x78: {  	[bflag:$0x3] =	sbarrier.arrive $0xFFFF  }
0x79: {  	_ =	shalt  }

</sc_bundles>
